<compile_context>
chip_gen: v7x
topology: tpu7x:2x2x1
jax: 0.10.2.dev20260603
libtpu: 0.0.44.dev20260713+nightly
codegen_flags: <defaults>
</compile_context>

<pallas_src>
import jax
import jax.numpy as jnp
from jax import lax
from jax.experimental import pallas as pl
from jax.experimental.pallas import tpu as pltpu
from jax.experimental.pallas import tpu_sc as plsc

N_STEPS = 20
CODE_DIM = 64
LANES = 16
TILE = 128


def _body(cbt_hbm, idx_hbm, out_hbm, idx_v, blk_v, out_v, sem):
    pltpu.sync_copy(idx_hbm, idx_v.at[pl.ds(0, 2)])
    vec = idx_v[...]
    a_i = lax.squeeze(lax.slice(vec, (0,), (1,)), (0,))
    b_i = lax.squeeze(lax.slice(vec, (1,), (2,)), (0,))
    a_base = pl.multiple_of((a_i >> 7) << 7, TILE)
    b_base = pl.multiple_of((b_i >> 7) << 7, TILE)
    cp_a = pltpu.make_async_copy(
        cbt_hbm.at[:, pl.ds(a_base, TILE)], blk_v.at[0], sem
    )
    cp_a.start()
    cp_b = pltpu.make_async_copy(
        cbt_hbm.at[:, pl.ds(b_base, TILE)], blk_v.at[1], sem
    )
    cp_b.start()
    cp_a.wait()
    cp_b.wait()
    a_col = jnp.broadcast_to(a_i & (TILE - 1), (LANES,))
    b_col = jnp.broadcast_to(b_i & (TILE - 1), (LANES,))
    for c in range(CODE_DIM // LANES):
        rows = lax.iota(jnp.int32, LANES) + (c * LANES)
        a = plsc.load_gather(blk_v.at[0], [rows, a_col])
        b = plsc.load_gather(blk_v.at[1], [rows, b_col])
        d = b - a
        for s in range(N_STEPS):
            lam = s / (N_STEPS - 1)
            out_v[s, pl.ds(c * LANES, LANES)] = a + lam * d
    pltpu.sync_copy(out_v, out_hbm)


def kernel(codebook, schema_a, schema_b):
    idx = jnp.stack(
        [jnp.asarray(schema_a, jnp.int32), jnp.asarray(schema_b, jnp.int32)]
    )
    mesh = plsc.VectorSubcoreMesh(
        core_axis_name="c", subcore_axis_name="s", num_cores=1, num_subcores=1
    )
    f = pl.kernel(
        _body,
        out_type=jax.ShapeDtypeStruct((N_STEPS, CODE_DIM), jnp.float32),
        mesh=mesh,
        scratch_types=[
            pltpu.VMEM((LANES,), jnp.int32),
            pltpu.VMEM((2, CODE_DIM, TILE), jnp.float32),
            pltpu.VMEM((N_STEPS, CODE_DIM), jnp.float32),
            pltpu.SemaphoreType.DMA,
        ],
        compiler_params=pltpu.CompilerParams(
            needs_layout_passes=False,
            disable_bounds_checks=True,
        ),
    )
    return f(codebook.T, idx)

# --- scband reference (transcript-rebuilt; emitter-appended) ---
"""Pipeline reference for scband-dream-interpolation-19774029430954 (READ-ONLY COPY).

The authoritative reference and input builder live on the scoring server;
editing this copy changes nothing except your own understanding.
"""

import jax, jax.numpy as jnp
import numpy as np

N_CODES = 1000000
CODE_DIM = 64
N_STEPS = 20


def setup_inputs(seed: int = 0) -> dict:
    key = jax.random.key(seed)
    codebook = jax.random.normal(key, (N_CODES, CODE_DIM), dtype=jnp.float32)
    return {"codebook": codebook, "schema_a": 123, "schema_b": 4567}


def reference(codebook, schema_a, schema_b):
    # dream_between: gather two codebook rows and linearly interpolate
    c_a = codebook[schema_a]
    c_b = codebook[schema_b]
    lambdas = jnp.linspace(0.0, 1.0, N_STEPS, dtype=jnp.float32)
    dreamed = (1.0 - lambdas)[:, None] * c_a[None, :] + lambdas[:, None] * c_b[None, :]
    return dreamed

if __name__ == "__main__":
    import jax
    _d = setup_inputs()
    print(jax.jit(kernel)(*tuple(_d.values())))

</pallas_src>

<mosaic_0001>
#map = affine_map<(d0, d1) -> (0, 0)>
#map1 = affine_map<(d0, d1) -> (0)>
module attributes {stable_mosaic.version = 14 : i64} {
  func.func @_body(%arg0: i32, %arg1: i32, %arg2: memref<64x1000000xf32, #tpu.memory_space<hbm>>, %arg3: memref<2xi32, #tpu.memory_space<hbm>>, %arg4: memref<20x64xf32, #tpu.memory_space<hbm>>, %arg5: memref<16xi32, #tpu.memory_space<vmem>>, %arg6: memref<2x64x128xf32, #tpu.memory_space<vmem>>, %arg7: memref<20x64xf32, #tpu.memory_space<vmem>>, %arg8: memref<!tpu.dma_semaphore, #tpu.memory_space<semaphore_mem>>) attributes {dimension_semantics = [#tpu.dimension_semantics<core_parallel>, #tpu.dimension_semantics<subcore_parallel>], iteration_bounds = array<i64: 1, 1>, scalar_prefetch = 0 : i64, scratch_operands = 4 : i64, tpu.core_type = #tpu.core_type<sc_vector_subcore>, window_params = [{transform_indices = #map}, {transform_indices = #map1}, {transform_indices = #map}]} {
    "tpu.region"() ({
      %run_scoped3A = tpu.sem_alloc : memref<!tpu.dma_semaphore, #tpu.memory_space<semaphore_mem>>
      %dma_start3A_766 = arith.constant 0 : i32
      %dma_start3A_767 = tpu.memref_slice %arg5[%dma_start3A_766] : memref<16xi32, #tpu.memory_space<vmem>> -> memref<2xi32, #tpu.memory_space<vmem>>
      %dma_start3A_768 = arith.constant 0 : i32
      %dma_start3A_769 = tpu.memref_slice %arg5[%dma_start3A_768] : memref<16xi32, #tpu.memory_space<vmem>> -> memref<2xi32, #tpu.memory_space<vmem>>
      tpu.enqueue_dma source(%arg3 : memref<2xi32, #tpu.memory_space<hbm>>) target(%dma_start3A_769 : memref<2xi32, #tpu.memory_space<vmem>>) target_semaphore(%run_scoped3A : memref<!tpu.dma_semaphore, #tpu.memory_space<semaphore_mem>>)
      %dma_wait3A_770 = arith.constant 0 : i32
      %dma_wait3A_771 = tpu.memref_slice %arg5[%dma_wait3A_770] : memref<16xi32, #tpu.memory_space<vmem>> -> memref<2xi32, #tpu.memory_space<vmem>>
      %dma_wait3A_772 = arith.constant 0 : i32
      %dma_wait3A_773 = tpu.memref_slice %arg5[%dma_wait3A_772] : memref<16xi32, #tpu.memory_space<vmem>> -> memref<2xi32, #tpu.memory_space<vmem>>
      tpu.wait_dma2 semaphore(%run_scoped3A : memref<!tpu.dma_semaphore, #tpu.memory_space<semaphore_mem>>) src(%arg3 : memref<2xi32, #tpu.memory_space<hbm>>) dst(%dma_wait3A_773 : memref<2xi32, #tpu.memory_space<vmem>>)
      tpu.yield
    }) : () -> ()
    %get3A = arith.constant 0 : index
    %get3A_0 = tpu.vector_load %arg5[%get3A] {strides = array<i32>} : memref<16xi32, #tpu.memory_space<vmem>>, vector<16xi32>,
    %slice3A = vector.extract_strided_slice %get3A_0 {offsets = [0], sizes = [1], strides = [1]} : vector<16xi32> to vector<1xi32>
    %squeeze3A = vector.extract %slice3A[0] : i32 from vector<1xi32>
    %slice3A_1 = vector.extract_strided_slice %get3A_0 {offsets = [1], sizes = [1], strides = [1]} : vector<16xi32> to vector<1xi32>
    %squeeze3A_2 = vector.extract %slice3A_1[0] : i32 from vector<1xi32>
    %shift_right_arithmetic3A = arith.constant 7 : i32
    %shift_right_arithmetic3A_3 = arith.shrsi %squeeze3A, %shift_right_arithmetic3A : i32
    %shift_left3A = arith.constant 7 : i32
    %shift_left3A_4 = arith.shli %shift_right_arithmetic3A_3, %shift_left3A : i32
    %multiple_of3A = tpu.assume_multiple %shift_left3A_4, 128 : i32
    %shift_right_arithmetic3A_5 = arith.constant 7 : i32
    %shift_right_arithmetic3A_6 = arith.shrsi %squeeze3A_2, %shift_right_arithmetic3A_5 : i32
    %shift_left3A_7 = arith.constant 7 : i32
    %shift_left3A_8 = arith.shli %shift_right_arithmetic3A_6, %shift_left3A_7 : i32
    %multiple_of3A_9 = tpu.assume_multiple %shift_left3A_8, 128 : i32
    %dma_start3A = arith.constant 0 : i32
    %dma_start3A_10 = arith.constant 0 : i32
    %dma_start3A_11 = arith.constant 0 : i32
    %dma_start3A_12 = tpu.memref_slice %arg6[%dma_start3A, %dma_start3A_10, %dma_start3A_11] : memref<2x64x128xf32, #tpu.memory_space<vmem>> -> memref<1x64x128xf32, #tpu.memory_space<vmem>>
    %dma_start3A_13 = tpu.memref_squeeze %dma_start3A_12 : memref<1x64x128xf32, #tpu.memory_space<vmem>> -> memref<64x128xf32, #tpu.memory_space<vmem>>
    %dma_start3A_14 = arith.constant 0 : i32
    %dma_start3A_15 = tpu.memref_slice %arg2[%dma_start3A_14, %multiple_of3A] : memref<64x1000000xf32, #tpu.memory_space<hbm>> -> memref<64x128xf32, #tpu.memory_space<hbm>>
    %dma_start3A_16 = arith.constant 0 : i32
    %dma_start3A_17 = arith.constant 0 : i32
    %dma_start3A_18 = tpu.memref_slice %arg6[%dma_start3A, %dma_start3A_16, %dma_start3A_17] : memref<2x64x128xf32, #tpu.memory_space<vmem>> -> memref<1x64x128xf32, #tpu.memory_space<vmem>>
    %dma_start3A_19 = tpu.memref_squeeze %dma_start3A_18 : memref<1x64x128xf32, #tpu.memory_space<vmem>> -> memref<64x128xf32, #tpu.memory_space<vmem>>
    %dma_start3A_20 = arith.constant 0 : i32
    %dma_start3A_21 = tpu.memref_slice %arg2[%dma_start3A_20, %multiple_of3A] : memref<64x1000000xf32, #tpu.memory_space<hbm>> -> memref<64x128xf32, #tpu.memory_space<hbm>>
    tpu.enqueue_dma source(%dma_start3A_21 : memref<64x128xf32, #tpu.memory_space<hbm>>) target(%dma_start3A_19 : memref<64x128xf32, #tpu.memory_space<vmem>>) target_semaphore(%arg8 : memref<!tpu.dma_semaphore, #tpu.memory_space<semaphore_mem>>)
    %dma_start3A_22 = arith.constant 1 : i32
    %dma_start3A_23 = arith.constant 0 : i32
    %dma_start3A_24 = arith.constant 0 : i32
    %dma_start3A_25 = tpu.memref_slice %arg6[%dma_start3A_22, %dma_start3A_23, %dma_start3A_24] : memref<2x64x128xf32, #tpu.memory_space<vmem>> -> memref<1x64x128xf32, #tpu.memory_space<vmem>>
    %dma_start3A_26 = tpu.memref_squeeze %dma_start3A_25 : memref<1x64x128xf32, #tpu.memory_space<vmem>> -> memref<64x128xf32, #tpu.memory_space<vmem>>
    %dma_start3A_27 = arith.constant 0 : i32
    %dma_start3A_28 = tpu.memref_slice %arg2[%dma_start3A_27, %multiple_of3A_9] : memref<64x1000000xf32, #tpu.memory_space<hbm>> -> memref<64x128xf32, #tpu.memory_space<hbm>>
    %dma_start3A_29 = arith.constant 0 : i32
    %dma_start3A_30 = arith.constant 0 : i32
    %dma_start3A_31 = tpu.memref_slice %arg6[%dma_start3A_22, %dma_start3A_29, %dma_start3A_30] : memref<2x64x128xf32, #tpu.memory_space<vmem>> -> memref<1x64x128xf32, #tpu.memory_space<vmem>>
    %dma_start3A_32 = tpu.memref_squeeze %dma_start3A_31 : memref<1x64x128xf32, #tpu.memory_space<vmem>> -> memref<64x128xf32, #tpu.memory_space<vmem>>
    %dma_start3A_33 = arith.constant 0 : i32
    %dma_start3A_34 = tpu.memref_slice %arg2[%dma_start3A_33, %multiple_of3A_9] : memref<64x1000000xf32, #tpu.memory_space<hbm>> -> memref<64x128xf32, #tpu.memory_space<hbm>>
    tpu.enqueue_dma source(%dma_start3A_34 : memref<64x128xf32, #tpu.memory_space<hbm>>) target(%dma_start3A_32 : memref<64x128xf32, #tpu.memory_space<vmem>>) target_semaphore(%arg8 : memref<!tpu.dma_semaphore, #tpu.memory_space<semaphore_mem>>)
    %dma_wait3A = arith.constant 0 : i32
    %dma_wait3A_35 = arith.constant 0 : i32
    %dma_wait3A_36 = arith.constant 0 : i32
    %dma_wait3A_37 = tpu.memref_slice %arg6[%dma_wait3A, %dma_wait3A_35, %dma_wait3A_36] : memref<2x64x128xf32, #tpu.memory_space<vmem>> -> memref<1x64x128xf32, #tpu.memory_space<vmem>>
    %dma_wait3A_38 = tpu.memref_squeeze %dma_wait3A_37 : memref<1x64x128xf32, #tpu.memory_space<vmem>> -> memref<64x128xf32, #tpu.memory_space<vmem>>
    %dma_wait3A_39 = arith.constant 0 : i32
    %dma_wait3A_40 = tpu.memref_slice %arg2[%dma_wait3A_39, %multiple_of3A] : memref<64x1000000xf32, #tpu.memory_space<hbm>> -> memref<64x128xf32, #tpu.memory_space<hbm>>
    %dma_wait3A_41 = arith.constant 0 : i32
    %dma_wait3A_42 = arith.constant 0 : i32
    %dma_wait3A_43 = tpu.memref_slice %arg6[%dma_wait3A, %dma_wait3A_41, %dma_wait3A_42] : memref<2x64x128xf32, #tpu.memory_space<vmem>> -> memref<1x64x128xf32, #tpu.memory_space<vmem>>
    %dma_wait3A_44 = tpu.memref_squeeze %dma_wait3A_43 : memref<1x64x128xf32, #tpu.memory_space<vmem>> -> memref<64x128xf32, #tpu.memory_space<vmem>>
    %dma_wait3A_45 = arith.constant 0 : i32
    %dma_wait3A_46 = tpu.memref_slice %arg2[%dma_wait3A_45, %multiple_of3A] : memref<64x1000000xf32, #tpu.memory_space<hbm>> -> memref<64x128xf32, #tpu.memory_space<hbm>>
    tpu.wait_dma2 semaphore(%arg8 : memref<!tpu.dma_semaphore, #tpu.memory_space<semaphore_mem>>) src(%dma_wait3A_46 : memref<64x128xf32, #tpu.memory_space<hbm>>) dst(%dma_wait3A_44 : memref<64x128xf32, #tpu.memory_space<vmem>>)
    %dma_wait3A_47 = arith.constant 1 : i32
    %dma_wait3A_48 = arith.constant 0 : i32
    %dma_wait3A_49 = arith.constant 0 : i32
    %dma_wait3A_50 = tpu.memref_slice %arg6[%dma_wait3A_47, %dma_wait3A_48, %dma_wait3A_49] : memref<2x64x128xf32, #tpu.memory_space<vmem>> -> memref<1x64x128xf32, #tpu.memory_space<vmem>>
    %dma_wait3A_51 = tpu.memref_squeeze %dma_wait3A_50 : memref<1x64x128xf32, #tpu.memory_space<vmem>> -> memref<64x128xf32, #tpu.memory_space<vmem>>
    %dma_wait3A_52 = arith.constant 0 : i32
    %dma_wait3A_53 = tpu.memref_slice %arg2[%dma_wait3A_52, %multiple_of3A_9] : memref<64x1000000xf32, #tpu.memory_space<hbm>> -> memref<64x128xf32, #tpu.memory_space<hbm>>
    %dma_wait3A_54 = arith.constant 0 : i32
    %dma_wait3A_55 = arith.constant 0 : i32
    %dma_wait3A_56 = tpu.memref_slice %arg6[%dma_wait3A_47, %dma_wait3A_54, %dma_wait3A_55] : memref<2x64x128xf32, #tpu.memory_space<vmem>> -> memref<1x64x128xf32, #tpu.memory_space<vmem>>
    %dma_wait3A_57 = tpu.memref_squeeze %dma_wait3A_56 : memref<1x64x128xf32, #tpu.memory_space<vmem>> -> memref<64x128xf32, #tpu.memory_space<vmem>>
    %dma_wait3A_58 = arith.constant 0 : i32
    %dma_wait3A_59 = tpu.memref_slice %arg2[%dma_wait3A_58, %multiple_of3A_9] : memref<64x1000000xf32, #tpu.memory_space<hbm>> -> memref<64x128xf32, #tpu.memory_space<hbm>>
    tpu.wait_dma2 semaphore(%arg8 : memref<!tpu.dma_semaphore, #tpu.memory_space<semaphore_mem>>) src(%dma_wait3A_59 : memref<64x128xf32, #tpu.memory_space<hbm>>) dst(%dma_wait3A_57 : memref<64x128xf32, #tpu.memory_space<vmem>>)
    %and3A = arith.constant 127 : i32
    %and3A_60 = arith.andi %squeeze3A, %and3A : i32
    %broadcast_in_dim3A = vector.broadcast %and3A_60 : i32 to vector<16xi32>
    %and3A_61 = arith.constant 127 : i32
    %and3A_62 = arith.andi %squeeze3A_2, %and3A_61 : i32
    %broadcast_in_dim3A_63 = vector.broadcast %and3A_62 : i32 to vector<16xi32>
    %iota3A = tpu.iota {dimensions = array<i32: 0>} : vector<16xi32>
    %add3A = arith.constant 0 : i32
    %add3A_64 = vector.broadcast %add3A : i32 to vector<16xi32>
    %add3A_65 = arith.addi %iota3A, %add3A_64 : vector<16xi32>
    %gather3A = arith.constant 0 : i32
    %gather3A_66 = arith.constant 0 : i32
    %gather3A_67 = arith.constant 0 : i32
    %gather3A_68 = tpu.memref_slice %arg6[%gather3A, %gather3A_66, %gather3A_67] : memref<2x64x128xf32, #tpu.memory_space<vmem>> -> memref<1x64x128xf32, #tpu.memory_space<vmem>>
    %gather3A_69 = tpu.memref_squeeze %gather3A_68 : memref<1x64x128xf32, #tpu.memory_space<vmem>> -> memref<64x128xf32, #tpu.memory_space<vmem>>
    %gather3A_70 = tpu.vector_load_idx %gather3A_69[%add3A_65, %broadcast_in_dim3A] : memref<64x128xf32, #tpu.memory_space<vmem>>[vector<16xi32>, vector<16xi32>], vector<16xf32>,
    %gather3A_71 = arith.constant 1 : i32
    %gather3A_72 = arith.constant 0 : i32
    %gather3A_73 = arith.constant 0 : i32
    %gather3A_74 = tpu.memref_slice %arg6[%gather3A_71, %gather3A_72, %gather3A_73] : memref<2x64x128xf32, #tpu.memory_space<vmem>> -> memref<1x64x128xf32, #tpu.memory_space<vmem>>
    %gather3A_75 = tpu.memref_squeeze %gather3A_74 : memref<1x64x128xf32, #tpu.memory_space<vmem>> -> memref<64x128xf32, #tpu.memory_space<vmem>>
    %gather3A_76 = tpu.vector_load_idx %gather3A_75[%add3A_65, %broadcast_in_dim3A_63] : memref<64x128xf32, #tpu.memory_space<vmem>>[vector<16xi32>, vector<16xi32>], vector<16xf32>,
    %sub3A = arith.subf %gather3A_76, %gather3A_70 : vector<16xf32>
    %mul3A = arith.constant 0.000000e+00 : f32
    %mul3A_77 = vector.broadcast %mul3A : f32 to vector<16xf32>
    %mul3A_78 = arith.mulf %mul3A_77, %sub3A : vector<16xf32>
    %add3A_79 = arith.addf %gather3A_70, %mul3A_78 : vector<16xf32>
    %swap3A = arith.constant 0 : i32
    %swap3A_80 = arith.index_cast %swap3A : i32 to index
    %swap3A_81 = arith.constant 0 : index
    %swap3A_82 = tpu.vector_load %arg7[%swap3A_80, %swap3A_81] {strides = array<i32>} : memref<20x64xf32, #tpu.memory_space<vmem>>, vector<16xf32>,
    tpu.vector_store %arg7[%swap3A_80, %swap3A_81], %add3A_79 {strides = array<i32>} : memref<20x64xf32, #tpu.memory_space<vmem>>, vector<16xf32>,
    %mul3A_83 = arith.constant 0.0526315793 : f32
    %mul3A_84 = vector.broadcast %mul3A_83 : f32 to vector<16xf32>
    %mul3A_85 = arith.mulf %mul3A_84, %sub3A : vector<16xf32>
    %add3A_86 = arith.addf %gather3A_70, %mul3A_85 : vector<16xf32>
    %swap3A_87 = arith.constant 1 : i32
    %swap3A_88 = arith.index_cast %swap3A_87 : i32 to index
    %swap3A_89 = arith.constant 0 : index
    %swap3A_90 = tpu.vector_load %arg7[%swap3A_88, %swap3A_89] {strides = array<i32>} : memref<20x64xf32, #tpu.memory_space<vmem>>, vector<16xf32>,
    tpu.vector_store %arg7[%swap3A_88, %swap3A_89], %add3A_86 {strides = array<i32>} : memref<20x64xf32, #tpu.memory_space<vmem>>, vector<16xf32>,
    %mul3A_91 = arith.constant 0.105263159 : f32
    %mul3A_92 = vector.broadcast %mul3A_91 : f32 to vector<16xf32>
    %mul3A_93 = arith.mulf %mul3A_92, %sub3A : vector<16xf32>
    %add3A_94 = arith.addf %gather3A_70, %mul3A_93 : vector<16xf32>
    %swap3A_95 = arith.constant 2 : i32
    %swap3A_96 = arith.index_cast %swap3A_95 : i32 to index
    %swap3A_97 = arith.constant 0 : index
    %swap3A_98 = tpu.vector_load %arg7[%swap3A_96, %swap3A_97] {strides = array<i32>} : memref<20x64xf32, #tpu.memory_space<vmem>>, vector<16xf32>,
    tpu.vector_store %arg7[%swap3A_96, %swap3A_97], %add3A_94 {strides = array<i32>} : memref<20x64xf32, #tpu.memory_space<vmem>>, vector<16xf32>,
    %mul3A_99 = arith.constant 0.157894731 : f32
    %mul3A_100 = vector.broadcast %mul3A_99 : f32 to vector<16xf32>
    %mul3A_101 = arith.mulf %mul3A_100, %sub3A : vector<16xf32>
    %add3A_102 = arith.addf %gather3A_70, %mul3A_101 : vector<16xf32>
    %swap3A_103 = arith.constant 3 : i32
    %swap3A_104 = arith.index_cast %swap3A_103 : i32 to index
    %swap3A_105 = arith.constant 0 : index
    %swap3A_106 = tpu.vector_load %arg7[%swap3A_104, %swap3A_105] {strides = array<i32>} : memref<20x64xf32, #tpu.memory_space<vmem>>, vector<16xf32>,
    tpu.vector_store %arg7[%swap3A_104, %swap3A_105], %add3A_102 {strides = array<i32>} : memref<20x64xf32, #tpu.memory_space<vmem>>, vector<16xf32>,
    %mul3A_107 = arith.constant 0.210526317 : f32
    %mul3A_108 = vector.broadcast %mul3A_107 : f32 to vector<16xf32>
    %mul3A_109 = arith.mulf %mul3A_108, %sub3A : vector<16xf32>
    %add3A_110 = arith.addf %gather3A_70, %mul3A_109 : vector<16xf32>
    %swap3A_111 = arith.constant 4 : i32
    %swap3A_112 = arith.index_cast %swap3A_111 : i32 to index
    %swap3A_113 = arith.constant 0 : index
    %swap3A_114 = tpu.vector_load %arg7[%swap3A_112, %swap3A_113] {strides = array<i32>} : memref<20x64xf32, #tpu.memory_space<vmem>>, vector<16xf32>,
    tpu.vector_store %arg7[%swap3A_112, %swap3A_113], %add3A_110 {strides = array<i32>} : memref<20x64xf32, #tpu.memory_space<vmem>>, vector<16xf32>,
    %mul3A_115 = arith.constant 0.263157904 : f32
    %mul3A_116 = vector.broadcast %mul3A_115 : f32 to vector<16xf32>
    %mul3A_117 = arith.mulf %mul3A_116, %sub3A : vector<16xf32>
    %add3A_118 = arith.addf %gather3A_70, %mul3A_117 : vector<16xf32>
    %swap3A_119 = arith.constant 5 : i32
    %swap3A_120 = arith.index_cast %swap3A_119 : i32 to index
    %swap3A_121 = arith.constant 0 : index
    %swap3A_122 = tpu.vector_load %arg7[%swap3A_120, %swap3A_121] {strides = array<i32>} : memref<20x64xf32, #tpu.memory_space<vmem>>, vector<16xf32>,
    tpu.vector_store %arg7[%swap3A_120, %swap3A_121], %add3A_118 {strides = array<i32>} : memref<20x64xf32, #tpu.memory_space<vmem>>, vector<16xf32>,
    %mul3A_123 = arith.constant 0.315789461 : f32
    %mul3A_124 = vector.broadcast %mul3A_123 : f32 to vector<16xf32>
    %mul3A_125 = arith.mulf %mul3A_124, %sub3A : vector<16xf32>
    %add3A_126 = arith.addf %gather3A_70, %mul3A_125 : vector<16xf32>
    %swap3A_127 = arith.constant 6 : i32
    %swap3A_128 = arith.index_cast %swap3A_127 : i32 to index
    %swap3A_129 = arith.constant 0 : index
    %swap3A_130 = tpu.vector_load %arg7[%swap3A_128, %swap3A_129] {strides = array<i32>} : memref<20x64xf32, #tpu.memory_space<vmem>>, vector<16xf32>,
    tpu.vector_store %arg7[%swap3A_128, %swap3A_129], %add3A_126 {strides = array<i32>} : memref<20x64xf32, #tpu.memory_space<vmem>>, vector<16xf32>,
    %mul3A_131 = arith.constant 0.368421048 : f32
    %mul3A_132 = vector.broadcast %mul3A_131 : f32 to vector<16xf32>
    %mul3A_133 = arith.mulf %mul3A_132, %sub3A : vector<16xf32>
    %add3A_134 = arith.addf %gather3A_70, %mul3A_133 : vector<16xf32>
    %swap3A_135 = arith.constant 7 : i32
    %swap3A_136 = arith.index_cast %swap3A_135 : i32 to index
    %swap3A_137 = arith.constant 0 : index
    %swap3A_138 = tpu.vector_load %arg7[%swap3A_136, %swap3A_137] {strides = array<i32>} : memref<20x64xf32, #tpu.memory_space<vmem>>, vector<16xf32>,
    tpu.vector_store %arg7[%swap3A_136, %swap3A_137], %add3A_134 {strides = array<i32>} : memref<20x64xf32, #tpu.memory_space<vmem>>, vector<16xf32>,
    %mul3A_139 = arith.constant 0.421052635 : f32
    %mul3A_140 = vector.broadcast %mul3A_139 : f32 to vector<16xf32>
    %mul3A_141 = arith.mulf %mul3A_140, %sub3A : vector<16xf32>
    %add3A_142 = arith.addf %gather3A_70, %mul3A_141 : vector<16xf32>
    %swap3A_143 = arith.constant 8 : i32
    %swap3A_144 = arith.index_cast %swap3A_143 : i32 to index
    %swap3A_145 = arith.constant 0 : index
    %swap3A_146 = tpu.vector_load %arg7[%swap3A_144, %swap3A_145] {strides = array<i32>} : memref<20x64xf32, #tpu.memory_space<vmem>>, vector<16xf32>,
    tpu.vector_store %arg7[%swap3A_144, %swap3A_145], %add3A_142 {strides = array<i32>} : memref<20x64xf32, #tpu.memory_space<vmem>>, vector<16xf32>,
    %mul3A_147 = arith.constant 0.473684222 : f32
    %mul3A_148 = vector.broadcast %mul3A_147 : f32 to vector<16xf32>
    %mul3A_149 = arith.mulf %mul3A_148, %sub3A : vector<16xf32>
    %add3A_150 = arith.addf %gather3A_70, %mul3A_149 : vector<16xf32>
    %swap3A_151 = arith.constant 9 : i32
    %swap3A_152 = arith.index_cast %swap3A_151 : i32 to index
    %swap3A_153 = arith.constant 0 : index
    %swap3A_154 = tpu.vector_load %arg7[%swap3A_152, %swap3A_153] {strides = array<i32>} : memref<20x64xf32, #tpu.memory_space<vmem>>, vector<16xf32>,
    tpu.vector_store %arg7[%swap3A_152, %swap3A_153], %add3A_150 {strides = array<i32>} : memref<20x64xf32, #tpu.memory_space<vmem>>, vector<16xf32>,
    %mul3A_155 = arith.constant 0.526315808 : f32
    %mul3A_156 = vector.broadcast %mul3A_155 : f32 to vector<16xf32>
    %mul3A_157 = arith.mulf %mul3A_156, %sub3A : vector<16xf32>
    %add3A_158 = arith.addf %gather3A_70, %mul3A_157 : vector<16xf32>
    %swap3A_159 = arith.constant 10 : i32
    %swap3A_160 = arith.index_cast %swap3A_159 : i32 to index
    %swap3A_161 = arith.constant 0 : index
    %swap3A_162 = tpu.vector_load %arg7[%swap3A_160, %swap3A_161] {strides = array<i32>} : memref<20x64xf32, #tpu.memory_space<vmem>>, vector<16xf32>,
    tpu.vector_store %arg7[%swap3A_160, %swap3A_161], %add3A_158 {strides = array<i32>} : memref<20x64xf32, #tpu.memory_space<vmem>>, vector<16xf32>,
    %mul3A_163 = arith.constant 0.578947365 : f32
    %mul3A_164 = vector.broadcast %mul3A_163 : f32 to vector<16xf32>
    %mul3A_165 = arith.mulf %mul3A_164, %sub3A : vector<16xf32>
    %add3A_166 = arith.addf %gather3A_70, %mul3A_165 : vector<16xf32>
    %swap3A_167 = arith.constant 11 : i32
    %swap3A_168 = arith.index_cast %swap3A_167 : i32 to index
    %swap3A_169 = arith.constant 0 : index
    %swap3A_170 = tpu.vector_load %arg7[%swap3A_168, %swap3A_169] {strides = array<i32>} : memref<20x64xf32, #tpu.memory_space<vmem>>, vector<16xf32>,
    tpu.vector_store %arg7[%swap3A_168, %swap3A_169], %add3A_166 {strides = array<i32>} : memref<20x64xf32, #tpu.memory_space<vmem>>, vector<16xf32>,
    %mul3A_171 = arith.constant 0.631578922 : f32
    %mul3A_172 = vector.broadcast %mul3A_171 : f32 to vector<16xf32>
    %mul3A_173 = arith.mulf %mul3A_172, %sub3A : vector<16xf32>
    %add3A_174 = arith.addf %gather3A_70, %mul3A_173 : vector<16xf32>
    %swap3A_175 = arith.constant 12 : i32
    %swap3A_176 = arith.index_cast %swap3A_175 : i32 to index
    %swap3A_177 = arith.constant 0 : index
    %swap3A_178 = tpu.vector_load %arg7[%swap3A_176, %swap3A_177] {strides = array<i32>} : memref<20x64xf32, #tpu.memory_space<vmem>>, vector<16xf32>,
    tpu.vector_store %arg7[%swap3A_176, %swap3A_177], %add3A_174 {strides = array<i32>} : memref<20x64xf32, #tpu.memory_space<vmem>>, vector<16xf32>,
    %mul3A_179 = arith.constant 0.684210539 : f32
    %mul3A_180 = vector.broadcast %mul3A_179 : f32 to vector<16xf32>
    %mul3A_181 = arith.mulf %mul3A_180, %sub3A : vector<16xf32>
    %add3A_182 = arith.addf %gather3A_70, %mul3A_181 : vector<16xf32>
    %swap3A_183 = arith.constant 13 : i32
    %swap3A_184 = arith.index_cast %swap3A_183 : i32 to index
    %swap3A_185 = arith.constant 0 : index
    %swap3A_186 = tpu.vector_load %arg7[%swap3A_184, %swap3A_185] {strides = array<i32>} : memref<20x64xf32, #tpu.memory_space<vmem>>, vector<16xf32>,
    tpu.vector_store %arg7[%swap3A_184, %swap3A_185], %add3A_182 {strides = array<i32>} : memref<20x64xf32, #tpu.memory_space<vmem>>, vector<16xf32>,
    %mul3A_187 = arith.constant 0.736842095 : f32
    %mul3A_188 = vector.broadcast %mul3A_187 : f32 to vector<16xf32>
    %mul3A_189 = arith.mulf %mul3A_188, %sub3A : vector<16xf32>
    %add3A_190 = arith.addf %gather3A_70, %mul3A_189 : vector<16xf32>
    %swap3A_191 = arith.constant 14 : i32
    %swap3A_192 = arith.index_cast %swap3A_191 : i32 to index
    %swap3A_193 = arith.constant 0 : index
    %swap3A_194 = tpu.vector_load %arg7[%swap3A_192, %swap3A_193] {strides = array<i32>} : memref<20x64xf32, #tpu.memory_space<vmem>>, vector<16xf32>,
    tpu.vector_store %arg7[%swap3A_192, %swap3A_193], %add3A_190 {strides = array<i32>} : memref<20x64xf32, #tpu.memory_space<vmem>>, vector<16xf32>,
    %mul3A_195 = arith.constant 0.789473712 : f32
    %mul3A_196 = vector.broadcast %mul3A_195 : f32 to vector<16xf32>
    %mul3A_197 = arith.mulf %mul3A_196, %sub3A : vector<16xf32>
    %add3A_198 = arith.addf %gather3A_70, %mul3A_197 : vector<16xf32>
    %swap3A_199 = arith.constant 15 : i32
    %swap3A_200 = arith.index_cast %swap3A_199 : i32 to index
    %swap3A_201 = arith.constant 0 : index
    %swap3A_202 = tpu.vector_load %arg7[%swap3A_200, %swap3A_201] {strides = array<i32>} : memref<20x64xf32, #tpu.memory_space<vmem>>, vector<16xf32>,
    tpu.vector_store %arg7[%swap3A_200, %swap3A_201], %add3A_198 {strides = array<i32>} : memref<20x64xf32, #tpu.memory_space<vmem>>, vector<16xf32>,
    %mul3A_203 = arith.constant 0.842105269 : f32
    %mul3A_204 = vector.broadcast %mul3A_203 : f32 to vector<16xf32>
    %mul3A_205 = arith.mulf %mul3A_204, %sub3A : vector<16xf32>
    %add3A_206 = arith.addf %gather3A_70, %mul3A_205 : vector<16xf32>
    %swap3A_207 = arith.constant 16 : i32
    %swap3A_208 = arith.index_cast %swap3A_207 : i32 to index
    %swap3A_209 = arith.constant 0 : index
    %swap3A_210 = tpu.vector_load %arg7[%swap3A_208, %swap3A_209] {strides = array<i32>} : memref<20x64xf32, #tpu.memory_space<vmem>>, vector<16xf32>,
    tpu.vector_store %arg7[%swap3A_208, %swap3A_209], %add3A_206 {strides = array<i32>} : memref<20x64xf32, #tpu.memory_space<vmem>>, vector<16xf32>,
    %mul3A_211 = arith.constant 0.894736826 : f32
    %mul3A_212 = vector.broadcast %mul3A_211 : f32 to vector<16xf32>
    %mul3A_213 = arith.mulf %mul3A_212, %sub3A : vector<16xf32>
    %add3A_214 = arith.addf %gather3A_70, %mul3A_213 : vector<16xf32>
    %swap3A_215 = arith.constant 17 : i32
    %swap3A_216 = arith.index_cast %swap3A_215 : i32 to index
    %swap3A_217 = arith.constant 0 : index
    %swap3A_218 = tpu.vector_load %arg7[%swap3A_216, %swap3A_217] {strides = array<i32>} : memref<20x64xf32, #tpu.memory_space<vmem>>, vector<16xf32>,
    tpu.vector_store %arg7[%swap3A_216, %swap3A_217], %add3A_214 {strides = array<i32>} : memref<20x64xf32, #tpu.memory_space<vmem>>, vector<16xf32>,
    %mul3A_219 = arith.constant 0.947368443 : f32
    %mul3A_220 = vector.broadcast %mul3A_219 : f32 to vector<16xf32>
    %mul3A_221 = arith.mulf %mul3A_220, %sub3A : vector<16xf32>
    %add3A_222 = arith.addf %gather3A_70, %mul3A_221 : vector<16xf32>
    %swap3A_223 = arith.constant 18 : i32
    %swap3A_224 = arith.index_cast %swap3A_223 : i32 to index
    %swap3A_225 = arith.constant 0 : index
    %swap3A_226 = tpu.vector_load %arg7[%swap3A_224, %swap3A_225] {strides = array<i32>} : memref<20x64xf32, #tpu.memory_space<vmem>>, vector<16xf32>,
    tpu.vector_store %arg7[%swap3A_224, %swap3A_225], %add3A_222 {strides = array<i32>} : memref<20x64xf32, #tpu.memory_space<vmem>>, vector<16xf32>,
    %mul3A_227 = arith.constant 1.000000e+00 : f32
    %mul3A_228 = vector.broadcast %mul3A_227 : f32 to vector<16xf32>
    %mul3A_229 = arith.mulf %mul3A_228, %sub3A : vector<16xf32>
    %add3A_230 = arith.addf %gather3A_70, %mul3A_229 : vector<16xf32>
    %swap3A_231 = arith.constant 19 : i32
    %swap3A_232 = arith.index_cast %swap3A_231 : i32 to index
    %swap3A_233 = arith.constant 0 : index
    %swap3A_234 = tpu.vector_load %arg7[%swap3A_232, %swap3A_233] {strides = array<i32>} : memref<20x64xf32, #tpu.memory_space<vmem>>, vector<16xf32>,
    tpu.vector_store %arg7[%swap3A_232, %swap3A_233], %add3A_230 {strides = array<i32>} : memref<20x64xf32, #tpu.memory_space<vmem>>, vector<16xf32>,
    %iota3A_235 = tpu.iota {dimensions = array<i32: 0>} : vector<16xi32>
    %add3A_236 = arith.constant 16 : i32
    %add3A_237 = vector.broadcast %add3A_236 : i32 to vector<16xi32>
    %add3A_238 = arith.addi %iota3A_235, %add3A_237 : vector<16xi32>
    %gather3A_239 = arith.constant 0 : i32
    %gather3A_240 = arith.constant 0 : i32
    %gather3A_241 = arith.constant 0 : i32
    %gather3A_242 = tpu.memref_slice %arg6[%gather3A_239, %gather3A_240, %gather3A_241] : memref<2x64x128xf32, #tpu.memory_space<vmem>> -> memref<1x64x128xf32, #tpu.memory_space<vmem>>
    %gather3A_243 = tpu.memref_squeeze %gather3A_242 : memref<1x64x128xf32, #tpu.memory_space<vmem>> -> memref<64x128xf32, #tpu.memory_space<vmem>>
    %gather3A_244 = tpu.vector_load_idx %gather3A_243[%add3A_238, %broadcast_in_dim3A] : memref<64x128xf32, #tpu.memory_space<vmem>>[vector<16xi32>, vector<16xi32>], vector<16xf32>,
    %gather3A_245 = arith.constant 1 : i32
    %gather3A_246 = arith.constant 0 : i32
    %gather3A_247 = arith.constant 0 : i32
    %gather3A_248 = tpu.memref_slice %arg6[%gather3A_245, %gather3A_246, %gather3A_247] : memref<2x64x128xf32, #tpu.memory_space<vmem>> -> memref<1x64x128xf32, #tpu.memory_space<vmem>>
    %gather3A_249 = tpu.memref_squeeze %gather3A_248 : memref<1x64x128xf32, #tpu.memory_space<vmem>> -> memref<64x128xf32, #tpu.memory_space<vmem>>
    %gather3A_250 = tpu.vector_load_idx %gather3A_249[%add3A_238, %broadcast_in_dim3A_63] : memref<64x128xf32, #tpu.memory_space<vmem>>[vector<16xi32>, vector<16xi32>], vector<16xf32>,
    %sub3A_251 = arith.subf %gather3A_250, %gather3A_244 : vector<16xf32>
    %mul3A_252 = arith.constant 0.000000e+00 : f32
    %mul3A_253 = vector.broadcast %mul3A_252 : f32 to vector<16xf32>
    %mul3A_254 = arith.mulf %mul3A_253, %sub3A_251 : vector<16xf32>
    %add3A_255 = arith.addf %gather3A_244, %mul3A_254 : vector<16xf32>
    %swap3A_256 = arith.constant 0 : i32
    %swap3A_257 = arith.index_cast %swap3A_256 : i32 to index
    %swap3A_258 = arith.constant 16 : index
    %swap3A_259 = tpu.vector_load %arg7[%swap3A_257, %swap3A_258] {strides = array<i32>} : memref<20x64xf32, #tpu.memory_space<vmem>>, vector<16xf32>,
    tpu.vector_store %arg7[%swap3A_257, %swap3A_258], %add3A_255 {strides = array<i32>} : memref<20x64xf32, #tpu.memory_space<vmem>>, vector<16xf32>,
    %mul3A_260 = arith.constant 0.0526315793 : f32
    %mul3A_261 = vector.broadcast %mul3A_260 : f32 to vector<16xf32>
    %mul3A_262 = arith.mulf %mul3A_261, %sub3A_251 : vector<16xf32>
    %add3A_263 = arith.addf %gather3A_244, %mul3A_262 : vector<16xf32>
    %swap3A_264 = arith.constant 1 : i32
    %swap3A_265 = arith.index_cast %swap3A_264 : i32 to index
    %swap3A_266 = arith.constant 16 : index
    %swap3A_267 = tpu.vector_load %arg7[%swap3A_265, %swap3A_266] {strides = array<i32>} : memref<20x64xf32, #tpu.memory_space<vmem>>, vector<16xf32>,
    tpu.vector_store %arg7[%swap3A_265, %swap3A_266], %add3A_263 {strides = array<i32>} : memref<20x64xf32, #tpu.memory_space<vmem>>, vector<16xf32>,
    %mul3A_268 = arith.constant 0.105263159 : f32
    %mul3A_269 = vector.broadcast %mul3A_268 : f32 to vector<16xf32>
    %mul3A_270 = arith.mulf %mul3A_269, %sub3A_251 : vector<16xf32>
    %add3A_271 = arith.addf %gather3A_244, %mul3A_270 : vector<16xf32>
    %swap3A_272 = arith.constant 2 : i32
    %swap3A_273 = arith.index_cast %swap3A_272 : i32 to index
    %swap3A_274 = arith.constant 16 : index
    %swap3A_275 = tpu.vector_load %arg7[%swap3A_273, %swap3A_274] {strides = array<i32>} : memref<20x64xf32, #tpu.memory_space<vmem>>, vector<16xf32>,
    tpu.vector_store %arg7[%swap3A_273, %swap3A_274], %add3A_271 {strides = array<i32>} : memref<20x64xf32, #tpu.memory_space<vmem>>, vector<16xf32>,
    %mul3A_276 = arith.constant 0.157894731 : f32
    %mul3A_277 = vector.broadcast %mul3A_276 : f32 to vector<16xf32>
    %mul3A_278 = arith.mulf %mul3A_277, %sub3A_251 : vector<16xf32>
    %add3A_279 = arith.addf %gather3A_244, %mul3A_278 : vector<16xf32>
    %swap3A_280 = arith.constant 3 : i32
    %swap3A_281 = arith.index_cast %swap3A_280 : i32 to index
    %swap3A_282 = arith.constant 16 : index
    %swap3A_283 = tpu.vector_load %arg7[%swap3A_281, %swap3A_282] {strides = array<i32>} : memref<20x64xf32, #tpu.memory_space<vmem>>, vector<16xf32>,
    tpu.vector_store %arg7[%swap3A_281, %swap3A_282], %add3A_279 {strides = array<i32>} : memref<20x64xf32, #tpu.memory_space<vmem>>, vector<16xf32>,
    %mul3A_284 = arith.constant 0.210526317 : f32
    %mul3A_285 = vector.broadcast %mul3A_284 : f32 to vector<16xf32>
    %mul3A_286 = arith.mulf %mul3A_285, %sub3A_251 : vector<16xf32>
    %add3A_287 = arith.addf %gather3A_244, %mul3A_286 : vector<16xf32>
    %swap3A_288 = arith.constant 4 : i32
    %swap3A_289 = arith.index_cast %swap3A_288 : i32 to index
    %swap3A_290 = arith.constant 16 : index
    %swap3A_291 = tpu.vector_load %arg7[%swap3A_289, %swap3A_290] {strides = array<i32>} : memref<20x64xf32, #tpu.memory_space<vmem>>, vector<16xf32>,
    tpu.vector_store %arg7[%swap3A_289, %swap3A_290], %add3A_287 {strides = array<i32>} : memref<20x64xf32, #tpu.memory_space<vmem>>, vector<16xf32>,
    %mul3A_292 = arith.constant 0.263157904 : f32
    %mul3A_293 = vector.broadcast %mul3A_292 : f32 to vector<16xf32>
    %mul3A_294 = arith.mulf %mul3A_293, %sub3A_251 : vector<16xf32>
    %add3A_295 = arith.addf %gather3A_244, %mul3A_294 : vector<16xf32>
    %swap3A_296 = arith.constant 5 : i32
    %swap3A_297 = arith.index_cast %swap3A_296 : i32 to index
    %swap3A_298 = arith.constant 16 : index
    %swap3A_299 = tpu.vector_load %arg7[%swap3A_297, %swap3A_298] {strides = array<i32>} : memref<20x64xf32, #tpu.memory_space<vmem>>, vector<16xf32>,
    tpu.vector_store %arg7[%swap3A_297, %swap3A_298], %add3A_295 {strides = array<i32>} : memref<20x64xf32, #tpu.memory_space<vmem>>, vector<16xf32>,
    %mul3A_300 = arith.constant 0.315789461 : f32
    %mul3A_301 = vector.broadcast %mul3A_300 : f32 to vector<16xf32>
    %mul3A_302 = arith.mulf %mul3A_301, %sub3A_251 : vector<16xf32>
    %add3A_303 = arith.addf %gather3A_244, %mul3A_302 : vector<16xf32>
    %swap3A_304 = arith.constant 6 : i32
    %swap3A_305 = arith.index_cast %swap3A_304 : i32 to index
    %swap3A_306 = arith.constant 16 : index
    %swap3A_307 = tpu.vector_load %arg7[%swap3A_305, %swap3A_306] {strides = array<i32>} : memref<20x64xf32, #tpu.memory_space<vmem>>, vector<16xf32>,
    tpu.vector_store %arg7[%swap3A_305, %swap3A_306], %add3A_303 {strides = array<i32>} : memref<20x64xf32, #tpu.memory_space<vmem>>, vector<16xf32>,
    %mul3A_308 = arith.constant 0.368421048 : f32
    %mul3A_309 = vector.broadcast %mul3A_308 : f32 to vector<16xf32>
    %mul3A_310 = arith.mulf %mul3A_309, %sub3A_251 : vector<16xf32>
    %add3A_311 = arith.addf %gather3A_244, %mul3A_310 : vector<16xf32>
    %swap3A_312 = arith.constant 7 : i32
    %swap3A_313 = arith.index_cast %swap3A_312 : i32 to index
    %swap3A_314 = arith.constant 16 : index
    %swap3A_315 = tpu.vector_load %arg7[%swap3A_313, %swap3A_314] {strides = array<i32>} : memref<20x64xf32, #tpu.memory_space<vmem>>, vector<16xf32>,
    tpu.vector_store %arg7[%swap3A_313, %swap3A_314], %add3A_311 {strides = array<i32>} : memref<20x64xf32, #tpu.memory_space<vmem>>, vector<16xf32>,
    %mul3A_316 = arith.constant 0.421052635 : f32
    %mul3A_317 = vector.broadcast %mul3A_316 : f32 to vector<16xf32>
    %mul3A_318 = arith.mulf %mul3A_317, %sub3A_251 : vector<16xf32>
    %add3A_319 = arith.addf %gather3A_244, %mul3A_318 : vector<16xf32>
    %swap3A_320 = arith.constant 8 : i32
    %swap3A_321 = arith.index_cast %swap3A_320 : i32 to index
    %swap3A_322 = arith.constant 16 : index
    %swap3A_323 = tpu.vector_load %arg7[%swap3A_321, %swap3A_322] {strides = array<i32>} : memref<20x64xf32, #tpu.memory_space<vmem>>, vector<16xf32>,
    tpu.vector_store %arg7[%swap3A_321, %swap3A_322], %add3A_319 {strides = array<i32>} : memref<20x64xf32, #tpu.memory_space<vmem>>, vector<16xf32>,
    %mul3A_324 = arith.constant 0.473684222 : f32
    %mul3A_325 = vector.broadcast %mul3A_324 : f32 to vector<16xf32>
    %mul3A_326 = arith.mulf %mul3A_325, %sub3A_251 : vector<16xf32>
    %add3A_327 = arith.addf %gather3A_244, %mul3A_326 : vector<16xf32>
    %swap3A_328 = arith.constant 9 : i32
    %swap3A_329 = arith.index_cast %swap3A_328 : i32 to index
    %swap3A_330 = arith.constant 16 : index
    %swap3A_331 = tpu.vector_load %arg7[%swap3A_329, %swap3A_330] {strides = array<i32>} : memref<20x64xf32, #tpu.memory_space<vmem>>, vector<16xf32>,
    tpu.vector_store %arg7[%swap3A_329, %swap3A_330], %add3A_327 {strides = array<i32>} : memref<20x64xf32, #tpu.memory_space<vmem>>, vector<16xf32>,
    %mul3A_332 = arith.constant 0.526315808 : f32
    %mul3A_333 = vector.broadcast %mul3A_332 : f32 to vector<16xf32>
    %mul3A_334 = arith.mulf %mul3A_333, %sub3A_251 : vector<16xf32>
    %add3A_335 = arith.addf %gather3A_244, %mul3A_334 : vector<16xf32>
    %swap3A_336 = arith.constant 10 : i32
    %swap3A_337 = arith.index_cast %swap3A_336 : i32 to index
    %swap3A_338 = arith.constant 16 : index
    %swap3A_339 = tpu.vector_load %arg7[%swap3A_337, %swap3A_338] {strides = array<i32>} : memref<20x64xf32, #tpu.memory_space<vmem>>, vector<16xf32>,
    tpu.vector_store %arg7[%swap3A_337, %swap3A_338], %add3A_335 {strides = array<i32>} : memref<20x64xf32, #tpu.memory_space<vmem>>, vector<16xf32>,
    %mul3A_340 = arith.constant 0.578947365 : f32
    %mul3A_341 = vector.broadcast %mul3A_340 : f32 to vector<16xf32>
    %mul3A_342 = arith.mulf %mul3A_341, %sub3A_251 : vector<16xf32>
    %add3A_343 = arith.addf %gather3A_244, %mul3A_342 : vector<16xf32>
    %swap3A_344 = arith.constant 11 : i32
    %swap3A_345 = arith.index_cast %swap3A_344 : i32 to index
    %swap3A_346 = arith.constant 16 : index
    %swap3A_347 = tpu.vector_load %arg7[%swap3A_345, %swap3A_346] {strides = array<i32>} : memref<20x64xf32, #tpu.memory_space<vmem>>, vector<16xf32>,
    tpu.vector_store %arg7[%swap3A_345, %swap3A_346], %add3A_343 {strides = array<i32>} : memref<20x64xf32, #tpu.memory_space<vmem>>, vector<16xf32>,
    %mul3A_348 = arith.constant 0.631578922 : f32
    %mul3A_349 = vector.broadcast %mul3A_348 : f32 to vector<16xf32>
    %mul3A_350 = arith.mulf %mul3A_349, %sub3A_251 : vector<16xf32>
    %add3A_351 = arith.addf %gather3A_244, %mul3A_350 : vector<16xf32>
    %swap3A_352 = arith.constant 12 : i32
    %swap3A_353 = arith.index_cast %swap3A_352 : i32 to index
    %swap3A_354 = arith.constant 16 : index
    %swap3A_355 = tpu.vector_load %arg7[%swap3A_353, %swap3A_354] {strides = array<i32>} : memref<20x64xf32, #tpu.memory_space<vmem>>, vector<16xf32>,
    tpu.vector_store %arg7[%swap3A_353, %swap3A_354], %add3A_351 {strides = array<i32>} : memref<20x64xf32, #tpu.memory_space<vmem>>, vector<16xf32>,
    %mul3A_356 = arith.constant 0.684210539 : f32
    %mul3A_357 = vector.broadcast %mul3A_356 : f32 to vector<16xf32>
    %mul3A_358 = arith.mulf %mul3A_357, %sub3A_251 : vector<16xf32>
    %add3A_359 = arith.addf %gather3A_244, %mul3A_358 : vector<16xf32>
    %swap3A_360 = arith.constant 13 : i32
    %swap3A_361 = arith.index_cast %swap3A_360 : i32 to index
    %swap3A_362 = arith.constant 16 : index
    %swap3A_363 = tpu.vector_load %arg7[%swap3A_361, %swap3A_362] {strides = array<i32>} : memref<20x64xf32, #tpu.memory_space<vmem>>, vector<16xf32>,
    tpu.vector_store %arg7[%swap3A_361, %swap3A_362], %add3A_359 {strides = array<i32>} : memref<20x64xf32, #tpu.memory_space<vmem>>, vector<16xf32>,
    %mul3A_364 = arith.constant 0.736842095 : f32
    %mul3A_365 = vector.broadcast %mul3A_364 : f32 to vector<16xf32>
    %mul3A_366 = arith.mulf %mul3A_365, %sub3A_251 : vector<16xf32>
    %add3A_367 = arith.addf %gather3A_244, %mul3A_366 : vector<16xf32>
    %swap3A_368 = arith.constant 14 : i32
    %swap3A_369 = arith.index_cast %swap3A_368 : i32 to index
    %swap3A_370 = arith.constant 16 : index
    %swap3A_371 = tpu.vector_load %arg7[%swap3A_369, %swap3A_370] {strides = array<i32>} : memref<20x64xf32, #tpu.memory_space<vmem>>, vector<16xf32>,
    tpu.vector_store %arg7[%swap3A_369, %swap3A_370], %add3A_367 {strides = array<i32>} : memref<20x64xf32, #tpu.memory_space<vmem>>, vector<16xf32>,
    %mul3A_372 = arith.constant 0.789473712 : f32
    %mul3A_373 = vector.broadcast %mul3A_372 : f32 to vector<16xf32>
    %mul3A_374 = arith.mulf %mul3A_373, %sub3A_251 : vector<16xf32>
    %add3A_375 = arith.addf %gather3A_244, %mul3A_374 : vector<16xf32>
    %swap3A_376 = arith.constant 15 : i32
    %swap3A_377 = arith.index_cast %swap3A_376 : i32 to index
    %swap3A_378 = arith.constant 16 : index
    %swap3A_379 = tpu.vector_load %arg7[%swap3A_377, %swap3A_378] {strides = array<i32>} : memref<20x64xf32, #tpu.memory_space<vmem>>, vector<16xf32>,
    tpu.vector_store %arg7[%swap3A_377, %swap3A_378], %add3A_375 {strides = array<i32>} : memref<20x64xf32, #tpu.memory_space<vmem>>, vector<16xf32>,
    %mul3A_380 = arith.constant 0.842105269 : f32
    %mul3A_381 = vector.broadcast %mul3A_380 : f32 to vector<16xf32>
    %mul3A_382 = arith.mulf %mul3A_381, %sub3A_251 : vector<16xf32>
    %add3A_383 = arith.addf %gather3A_244, %mul3A_382 : vector<16xf32>
    %swap3A_384 = arith.constant 16 : i32
    %swap3A_385 = arith.index_cast %swap3A_384 : i32 to index
    %swap3A_386 = arith.constant 16 : index
    %swap3A_387 = tpu.vector_load %arg7[%swap3A_385, %swap3A_386] {strides = array<i32>} : memref<20x64xf32, #tpu.memory_space<vmem>>, vector<16xf32>,
    tpu.vector_store %arg7[%swap3A_385, %swap3A_386], %add3A_383 {strides = array<i32>} : memref<20x64xf32, #tpu.memory_space<vmem>>, vector<16xf32>,
    %mul3A_388 = arith.constant 0.894736826 : f32
    %mul3A_389 = vector.broadcast %mul3A_388 : f32 to vector<16xf32>
    %mul3A_390 = arith.mulf %mul3A_389, %sub3A_251 : vector<16xf32>
    %add3A_391 = arith.addf %gather3A_244, %mul3A_390 : vector<16xf32>
    %swap3A_392 = arith.constant 17 : i32
    %swap3A_393 = arith.index_cast %swap3A_392 : i32 to index
    %swap3A_394 = arith.constant 16 : index
    %swap3A_395 = tpu.vector_load %arg7[%swap3A_393, %swap3A_394] {strides = array<i32>} : memref<20x64xf32, #tpu.memory_space<vmem>>, vector<16xf32>,
    tpu.vector_store %arg7[%swap3A_393, %swap3A_394], %add3A_391 {strides = array<i32>} : memref<20x64xf32, #tpu.memory_space<vmem>>, vector<16xf32>,
    %mul3A_396 = arith.constant 0.947368443 : f32
    %mul3A_397 = vector.broadcast %mul3A_396 : f32 to vector<16xf32>
    %mul3A_398 = arith.mulf %mul3A_397, %sub3A_251 : vector<16xf32>
    %add3A_399 = arith.addf %gather3A_244, %mul3A_398 : vector<16xf32>
    %swap3A_400 = arith.constant 18 : i32
    %swap3A_401 = arith.index_cast %swap3A_400 : i32 to index
    %swap3A_402 = arith.constant 16 : index
    %swap3A_403 = tpu.vector_load %arg7[%swap3A_401, %swap3A_402] {strides = array<i32>} : memref<20x64xf32, #tpu.memory_space<vmem>>, vector<16xf32>,
    tpu.vector_store %arg7[%swap3A_401, %swap3A_402], %add3A_399 {strides = array<i32>} : memref<20x64xf32, #tpu.memory_space<vmem>>, vector<16xf32>,
    %mul3A_404 = arith.constant 1.000000e+00 : f32
    %mul3A_405 = vector.broadcast %mul3A_404 : f32 to vector<16xf32>
    %mul3A_406 = arith.mulf %mul3A_405, %sub3A_251 : vector<16xf32>
    %add3A_407 = arith.addf %gather3A_244, %mul3A_406 : vector<16xf32>
    %swap3A_408 = arith.constant 19 : i32
    %swap3A_409 = arith.index_cast %swap3A_408 : i32 to index
    %swap3A_410 = arith.constant 16 : index
    %swap3A_411 = tpu.vector_load %arg7[%swap3A_409, %swap3A_410] {strides = array<i32>} : memref<20x64xf32, #tpu.memory_space<vmem>>, vector<16xf32>,
    tpu.vector_store %arg7[%swap3A_409, %swap3A_410], %add3A_407 {strides = array<i32>} : memref<20x64xf32, #tpu.memory_space<vmem>>, vector<16xf32>,
    %iota3A_412 = tpu.iota {dimensions = array<i32: 0>} : vector<16xi32>
    %add3A_413 = arith.constant 32 : i32
    %add3A_414 = vector.broadcast %add3A_413 : i32 to vector<16xi32>
    %add3A_415 = arith.addi %iota3A_412, %add3A_414 : vector<16xi32>
    %gather3A_416 = arith.constant 0 : i32
    %gather3A_417 = arith.constant 0 : i32
    %gather3A_418 = arith.constant 0 : i32
    %gather3A_419 = tpu.memref_slice %arg6[%gather3A_416, %gather3A_417, %gather3A_418] : memref<2x64x128xf32, #tpu.memory_space<vmem>> -> memref<1x64x128xf32, #tpu.memory_space<vmem>>
    %gather3A_420 = tpu.memref_squeeze %gather3A_419 : memref<1x64x128xf32, #tpu.memory_space<vmem>> -> memref<64x128xf32, #tpu.memory_space<vmem>>
    %gather3A_421 = tpu.vector_load_idx %gather3A_420[%add3A_415, %broadcast_in_dim3A] : memref<64x128xf32, #tpu.memory_space<vmem>>[vector<16xi32>, vector<16xi32>], vector<16xf32>,
    %gather3A_422 = arith.constant 1 : i32
    %gather3A_423 = arith.constant 0 : i32
    %gather3A_424 = arith.constant 0 : i32
    %gather3A_425 = tpu.memref_slice %arg6[%gather3A_422, %gather3A_423, %gather3A_424] : memref<2x64x128xf32, #tpu.memory_space<vmem>> -> memref<1x64x128xf32, #tpu.memory_space<vmem>>
    %gather3A_426 = tpu.memref_squeeze %gather3A_425 : memref<1x64x128xf32, #tpu.memory_space<vmem>> -> memref<64x128xf32, #tpu.memory_space<vmem>>
    %gather3A_427 = tpu.vector_load_idx %gather3A_426[%add3A_415, %broadcast_in_dim3A_63] : memref<64x128xf32, #tpu.memory_space<vmem>>[vector<16xi32>, vector<16xi32>], vector<16xf32>,
    %sub3A_428 = arith.subf %gather3A_427, %gather3A_421 : vector<16xf32>
    %mul3A_429 = arith.constant 0.000000e+00 : f32
    %mul3A_430 = vector.broadcast %mul3A_429 : f32 to vector<16xf32>
    %mul3A_431 = arith.mulf %mul3A_430, %sub3A_428 : vector<16xf32>
    %add3A_432 = arith.addf %gather3A_421, %mul3A_431 : vector<16xf32>
    %swap3A_433 = arith.constant 0 : i32
    %swap3A_434 = arith.index_cast %swap3A_433 : i32 to index
    %swap3A_435 = arith.constant 32 : index
    %swap3A_436 = tpu.vector_load %arg7[%swap3A_434, %swap3A_435] {strides = array<i32>} : memref<20x64xf32, #tpu.memory_space<vmem>>, vector<16xf32>,
    tpu.vector_store %arg7[%swap3A_434, %swap3A_435], %add3A_432 {strides = array<i32>} : memref<20x64xf32, #tpu.memory_space<vmem>>, vector<16xf32>,
    %mul3A_437 = arith.constant 0.0526315793 : f32
    %mul3A_438 = vector.broadcast %mul3A_437 : f32 to vector<16xf32>
    %mul3A_439 = arith.mulf %mul3A_438, %sub3A_428 : vector<16xf32>
    %add3A_440 = arith.addf %gather3A_421, %mul3A_439 : vector<16xf32>
    %swap3A_441 = arith.constant 1 : i32
    %swap3A_442 = arith.index_cast %swap3A_441 : i32 to index
    %swap3A_443 = arith.constant 32 : index
    %swap3A_444 = tpu.vector_load %arg7[%swap3A_442, %swap3A_443] {strides = array<i32>} : memref<20x64xf32, #tpu.memory_space<vmem>>, vector<16xf32>,
    tpu.vector_store %arg7[%swap3A_442, %swap3A_443], %add3A_440 {strides = array<i32>} : memref<20x64xf32, #tpu.memory_space<vmem>>, vector<16xf32>,
    %mul3A_445 = arith.constant 0.105263159 : f32
    %mul3A_446 = vector.broadcast %mul3A_445 : f32 to vector<16xf32>
    %mul3A_447 = arith.mulf %mul3A_446, %sub3A_428 : vector<16xf32>
    %add3A_448 = arith.addf %gather3A_421, %mul3A_447 : vector<16xf32>
    %swap3A_449 = arith.constant 2 : i32
    %swap3A_450 = arith.index_cast %swap3A_449 : i32 to index
    %swap3A_451 = arith.constant 32 : index
    %swap3A_452 = tpu.vector_load %arg7[%swap3A_450, %swap3A_451] {strides = array<i32>} : memref<20x64xf32, #tpu.memory_space<vmem>>, vector<16xf32>,
    tpu.vector_store %arg7[%swap3A_450, %swap3A_451], %add3A_448 {strides = array<i32>} : memref<20x64xf32, #tpu.memory_space<vmem>>, vector<16xf32>,
    %mul3A_453 = arith.constant 0.157894731 : f32
    %mul3A_454 = vector.broadcast %mul3A_453 : f32 to vector<16xf32>
    %mul3A_455 = arith.mulf %mul3A_454, %sub3A_428 : vector<16xf32>
    %add3A_456 = arith.addf %gather3A_421, %mul3A_455 : vector<16xf32>
    %swap3A_457 = arith.constant 3 : i32
    %swap3A_458 = arith.index_cast %swap3A_457 : i32 to index
    %swap3A_459 = arith.constant 32 : index
    %swap3A_460 = tpu.vector_load %arg7[%swap3A_458, %swap3A_459] {strides = array<i32>} : memref<20x64xf32, #tpu.memory_space<vmem>>, vector<16xf32>,
    tpu.vector_store %arg7[%swap3A_458, %swap3A_459], %add3A_456 {strides = array<i32>} : memref<20x64xf32, #tpu.memory_space<vmem>>, vector<16xf32>,
    %mul3A_461 = arith.constant 0.210526317 : f32
    %mul3A_462 = vector.broadcast %mul3A_461 : f32 to vector<16xf32>
    %mul3A_463 = arith.mulf %mul3A_462, %sub3A_428 : vector<16xf32>
    %add3A_464 = arith.addf %gather3A_421, %mul3A_463 : vector<16xf32>
    %swap3A_465 = arith.constant 4 : i32
    %swap3A_466 = arith.index_cast %swap3A_465 : i32 to index
    %swap3A_467 = arith.constant 32 : index
    %swap3A_468 = tpu.vector_load %arg7[%swap3A_466, %swap3A_467] {strides = array<i32>} : memref<20x64xf32, #tpu.memory_space<vmem>>, vector<16xf32>,
    tpu.vector_store %arg7[%swap3A_466, %swap3A_467], %add3A_464 {strides = array<i32>} : memref<20x64xf32, #tpu.memory_space<vmem>>, vector<16xf32>,
    %mul3A_469 = arith.constant 0.263157904 : f32
    %mul3A_470 = vector.broadcast %mul3A_469 : f32 to vector<16xf32>
    %mul3A_471 = arith.mulf %mul3A_470, %sub3A_428 : vector<16xf32>
    %add3A_472 = arith.addf %gather3A_421, %mul3A_471 : vector<16xf32>
    %swap3A_473 = arith.constant 5 : i32
    %swap3A_474 = arith.index_cast %swap3A_473 : i32 to index
    %swap3A_475 = arith.constant 32 : index
    %swap3A_476 = tpu.vector_load %arg7[%swap3A_474, %swap3A_475] {strides = array<i32>} : memref<20x64xf32, #tpu.memory_space<vmem>>, vector<16xf32>,
    tpu.vector_store %arg7[%swap3A_474, %swap3A_475], %add3A_472 {strides = array<i32>} : memref<20x64xf32, #tpu.memory_space<vmem>>, vector<16xf32>,
    %mul3A_477 = arith.constant 0.315789461 : f32
    %mul3A_478 = vector.broadcast %mul3A_477 : f32 to vector<16xf32>
    %mul3A_479 = arith.mulf %mul3A_478, %sub3A_428 : vector<16xf32>
    %add3A_480 = arith.addf %gather3A_421, %mul3A_479 : vector<16xf32>
    %swap3A_481 = arith.constant 6 : i32
    %swap3A_482 = arith.index_cast %swap3A_481 : i32 to index
    %swap3A_483 = arith.constant 32 : index
    %swap3A_484 = tpu.vector_load %arg7[%swap3A_482, %swap3A_483] {strides = array<i32>} : memref<20x64xf32, #tpu.memory_space<vmem>>, vector<16xf32>,
    tpu.vector_store %arg7[%swap3A_482, %swap3A_483], %add3A_480 {strides = array<i32>} : memref<20x64xf32, #tpu.memory_space<vmem>>, vector<16xf32>,
    %mul3A_485 = arith.constant 0.368421048 : f32
    %mul3A_486 = vector.broadcast %mul3A_485 : f32 to vector<16xf32>
    %mul3A_487 = arith.mulf %mul3A_486, %sub3A_428 : vector<16xf32>
    %add3A_488 = arith.addf %gather3A_421, %mul3A_487 : vector<16xf32>
    %swap3A_489 = arith.constant 7 : i32
    %swap3A_490 = arith.index_cast %swap3A_489 : i32 to index
    %swap3A_491 = arith.constant 32 : index
    %swap3A_492 = tpu.vector_load %arg7[%swap3A_490, %swap3A_491] {strides = array<i32>} : memref<20x64xf32, #tpu.memory_space<vmem>>, vector<16xf32>,
    tpu.vector_store %arg7[%swap3A_490, %swap3A_491], %add3A_488 {strides = array<i32>} : memref<20x64xf32, #tpu.memory_space<vmem>>, vector<16xf32>,
    %mul3A_493 = arith.constant 0.421052635 : f32
    %mul3A_494 = vector.broadcast %mul3A_493 : f32 to vector<16xf32>
    %mul3A_495 = arith.mulf %mul3A_494, %sub3A_428 : vector<16xf32>
    %add3A_496 = arith.addf %gather3A_421, %mul3A_495 : vector<16xf32>
    %swap3A_497 = arith.constant 8 : i32
    %swap3A_498 = arith.index_cast %swap3A_497 : i32 to index
    %swap3A_499 = arith.constant 32 : index
    %swap3A_500 = tpu.vector_load %arg7[%swap3A_498, %swap3A_499] {strides = array<i32>} : memref<20x64xf32, #tpu.memory_space<vmem>>, vector<16xf32>,
    tpu.vector_store %arg7[%swap3A_498, %swap3A_499], %add3A_496 {strides = array<i32>} : memref<20x64xf32, #tpu.memory_space<vmem>>, vector<16xf32>,
    %mul3A_501 = arith.constant 0.473684222 : f32
    %mul3A_502 = vector.broadcast %mul3A_501 : f32 to vector<16xf32>
    %mul3A_503 = arith.mulf %mul3A_502, %sub3A_428 : vector<16xf32>
    %add3A_504 = arith.addf %gather3A_421, %mul3A_503 : vector<16xf32>
    %swap3A_505 = arith.constant 9 : i32
    %swap3A_506 = arith.index_cast %swap3A_505 : i32 to index
    %swap3A_507 = arith.constant 32 : index
    %swap3A_508 = tpu.vector_load %arg7[%swap3A_506, %swap3A_507] {strides = array<i32>} : memref<20x64xf32, #tpu.memory_space<vmem>>, vector<16xf32>,
    tpu.vector_store %arg7[%swap3A_506, %swap3A_507], %add3A_504 {strides = array<i32>} : memref<20x64xf32, #tpu.memory_space<vmem>>, vector<16xf32>,
    %mul3A_509 = arith.constant 0.526315808 : f32
    %mul3A_510 = vector.broadcast %mul3A_509 : f32 to vector<16xf32>
    %mul3A_511 = arith.mulf %mul3A_510, %sub3A_428 : vector<16xf32>
    %add3A_512 = arith.addf %gather3A_421, %mul3A_511 : vector<16xf32>
    %swap3A_513 = arith.constant 10 : i32
    %swap3A_514 = arith.index_cast %swap3A_513 : i32 to index
    %swap3A_515 = arith.constant 32 : index
    %swap3A_516 = tpu.vector_load %arg7[%swap3A_514, %swap3A_515] {strides = array<i32>} : memref<20x64xf32, #tpu.memory_space<vmem>>, vector<16xf32>,
    tpu.vector_store %arg7[%swap3A_514, %swap3A_515], %add3A_512 {strides = array<i32>} : memref<20x64xf32, #tpu.memory_space<vmem>>, vector<16xf32>,
    %mul3A_517 = arith.constant 0.578947365 : f32
    %mul3A_518 = vector.broadcast %mul3A_517 : f32 to vector<16xf32>
    %mul3A_519 = arith.mulf %mul3A_518, %sub3A_428 : vector<16xf32>
    %add3A_520 = arith.addf %gather3A_421, %mul3A_519 : vector<16xf32>
    %swap3A_521 = arith.constant 11 : i32
    %swap3A_522 = arith.index_cast %swap3A_521 : i32 to index
    %swap3A_523 = arith.constant 32 : index
    %swap3A_524 = tpu.vector_load %arg7[%swap3A_522, %swap3A_523] {strides = array<i32>} : memref<20x64xf32, #tpu.memory_space<vmem>>, vector<16xf32>,
    tpu.vector_store %arg7[%swap3A_522, %swap3A_523], %add3A_520 {strides = array<i32>} : memref<20x64xf32, #tpu.memory_space<vmem>>, vector<16xf32>,
    %mul3A_525 = arith.constant 0.631578922 : f32
    %mul3A_526 = vector.broadcast %mul3A_525 : f32 to vector<16xf32>
    %mul3A_527 = arith.mulf %mul3A_526, %sub3A_428 : vector<16xf32>
    %add3A_528 = arith.addf %gather3A_421, %mul3A_527 : vector<16xf32>
    %swap3A_529 = arith.constant 12 : i32
    %swap3A_530 = arith.index_cast %swap3A_529 : i32 to index
    %swap3A_531 = arith.constant 32 : index
    %swap3A_532 = tpu.vector_load %arg7[%swap3A_530, %swap3A_531] {strides = array<i32>} : memref<20x64xf32, #tpu.memory_space<vmem>>, vector<16xf32>,
    tpu.vector_store %arg7[%swap3A_530, %swap3A_531], %add3A_528 {strides = array<i32>} : memref<20x64xf32, #tpu.memory_space<vmem>>, vector<16xf32>,
    %mul3A_533 = arith.constant 0.684210539 : f32
    %mul3A_534 = vector.broadcast %mul3A_533 : f32 to vector<16xf32>
    %mul3A_535 = arith.mulf %mul3A_534, %sub3A_428 : vector<16xf32>
    %add3A_536 = arith.addf %gather3A_421, %mul3A_535 : vector<16xf32>
    %swap3A_537 = arith.constant 13 : i32
    %swap3A_538 = arith.index_cast %swap3A_537 : i32 to index
    %swap3A_539 = arith.constant 32 : index
    %swap3A_540 = tpu.vector_load %arg7[%swap3A_538, %swap3A_539] {strides = array<i32>} : memref<20x64xf32, #tpu.memory_space<vmem>>, vector<16xf32>,
    tpu.vector_store %arg7[%swap3A_538, %swap3A_539], %add3A_536 {strides = array<i32>} : memref<20x64xf32, #tpu.memory_space<vmem>>, vector<16xf32>,
    %mul3A_541 = arith.constant 0.736842095 : f32
    %mul3A_542 = vector.broadcast %mul3A_541 : f32 to vector<16xf32>
    %mul3A_543 = arith.mulf %mul3A_542, %sub3A_428 : vector<16xf32>
    %add3A_544 = arith.addf %gather3A_421, %mul3A_543 : vector<16xf32>
    %swap3A_545 = arith.constant 14 : i32
    %swap3A_546 = arith.index_cast %swap3A_545 : i32 to index
    %swap3A_547 = arith.constant 32 : index
    %swap3A_548 = tpu.vector_load %arg7[%swap3A_546, %swap3A_547] {strides = array<i32>} : memref<20x64xf32, #tpu.memory_space<vmem>>, vector<16xf32>,
    tpu.vector_store %arg7[%swap3A_546, %swap3A_547], %add3A_544 {strides = array<i32>} : memref<20x64xf32, #tpu.memory_space<vmem>>, vector<16xf32>,
    %mul3A_549 = arith.constant 0.789473712 : f32
    %mul3A_550 = vector.broadcast %mul3A_549 : f32 to vector<16xf32>
    %mul3A_551 = arith.mulf %mul3A_550, %sub3A_428 : vector<16xf32>
    %add3A_552 = arith.addf %gather3A_421, %mul3A_551 : vector<16xf32>
    %swap3A_553 = arith.constant 15 : i32
    %swap3A_554 = arith.index_cast %swap3A_553 : i32 to index
    %swap3A_555 = arith.constant 32 : index
    %swap3A_556 = tpu.vector_load %arg7[%swap3A_554, %swap3A_555] {strides = array<i32>} : memref<20x64xf32, #tpu.memory_space<vmem>>, vector<16xf32>,
    tpu.vector_store %arg7[%swap3A_554, %swap3A_555], %add3A_552 {strides = array<i32>} : memref<20x64xf32, #tpu.memory_space<vmem>>, vector<16xf32>,
    %mul3A_557 = arith.constant 0.842105269 : f32
    %mul3A_558 = vector.broadcast %mul3A_557 : f32 to vector<16xf32>
    %mul3A_559 = arith.mulf %mul3A_558, %sub3A_428 : vector<16xf32>
    %add3A_560 = arith.addf %gather3A_421, %mul3A_559 : vector<16xf32>
    %swap3A_561 = arith.constant 16 : i32
    %swap3A_562 = arith.index_cast %swap3A_561 : i32 to index
    %swap3A_563 = arith.constant 32 : index
    %swap3A_564 = tpu.vector_load %arg7[%swap3A_562, %swap3A_563] {strides = array<i32>} : memref<20x64xf32, #tpu.memory_space<vmem>>, vector<16xf32>,
    tpu.vector_store %arg7[%swap3A_562, %swap3A_563], %add3A_560 {strides = array<i32>} : memref<20x64xf32, #tpu.memory_space<vmem>>, vector<16xf32>,
    %mul3A_565 = arith.constant 0.894736826 : f32
    %mul3A_566 = vector.broadcast %mul3A_565 : f32 to vector<16xf32>
    %mul3A_567 = arith.mulf %mul3A_566, %sub3A_428 : vector<16xf32>
    %add3A_568 = arith.addf %gather3A_421, %mul3A_567 : vector<16xf32>
    %swap3A_569 = arith.constant 17 : i32
    %swap3A_570 = arith.index_cast %swap3A_569 : i32 to index
    %swap3A_571 = arith.constant 32 : index
    %swap3A_572 = tpu.vector_load %arg7[%swap3A_570, %swap3A_571] {strides = array<i32>} : memref<20x64xf32, #tpu.memory_space<vmem>>, vector<16xf32>,
    tpu.vector_store %arg7[%swap3A_570, %swap3A_571], %add3A_568 {strides = array<i32>} : memref<20x64xf32, #tpu.memory_space<vmem>>, vector<16xf32>,
    %mul3A_573 = arith.constant 0.947368443 : f32
    %mul3A_574 = vector.broadcast %mul3A_573 : f32 to vector<16xf32>
    %mul3A_575 = arith.mulf %mul3A_574, %sub3A_428 : vector<16xf32>
    %add3A_576 = arith.addf %gather3A_421, %mul3A_575 : vector<16xf32>
    %swap3A_577 = arith.constant 18 : i32
    %swap3A_578 = arith.index_cast %swap3A_577 : i32 to index
    %swap3A_579 = arith.constant 32 : index
    %swap3A_580 = tpu.vector_load %arg7[%swap3A_578, %swap3A_579] {strides = array<i32>} : memref<20x64xf32, #tpu.memory_space<vmem>>, vector<16xf32>,
    tpu.vector_store %arg7[%swap3A_578, %swap3A_579], %add3A_576 {strides = array<i32>} : memref<20x64xf32, #tpu.memory_space<vmem>>, vector<16xf32>,
    %mul3A_581 = arith.constant 1.000000e+00 : f32
    %mul3A_582 = vector.broadcast %mul3A_581 : f32 to vector<16xf32>
    %mul3A_583 = arith.mulf %mul3A_582, %sub3A_428 : vector<16xf32>
    %add3A_584 = arith.addf %gather3A_421, %mul3A_583 : vector<16xf32>
    %swap3A_585 = arith.constant 19 : i32
    %swap3A_586 = arith.index_cast %swap3A_585 : i32 to index
    %swap3A_587 = arith.constant 32 : index
    %swap3A_588 = tpu.vector_load %arg7[%swap3A_586, %swap3A_587] {strides = array<i32>} : memref<20x64xf32, #tpu.memory_space<vmem>>, vector<16xf32>,
    tpu.vector_store %arg7[%swap3A_586, %swap3A_587], %add3A_584 {strides = array<i32>} : memref<20x64xf32, #tpu.memory_space<vmem>>, vector<16xf32>,
    %iota3A_589 = tpu.iota {dimensions = array<i32: 0>} : vector<16xi32>
    %add3A_590 = arith.constant 48 : i32
    %add3A_591 = vector.broadcast %add3A_590 : i32 to vector<16xi32>
    %add3A_592 = arith.addi %iota3A_589, %add3A_591 : vector<16xi32>
    %gather3A_593 = arith.constant 0 : i32
    %gather3A_594 = arith.constant 0 : i32
    %gather3A_595 = arith.constant 0 : i32
    %gather3A_596 = tpu.memref_slice %arg6[%gather3A_593, %gather3A_594, %gather3A_595] : memref<2x64x128xf32, #tpu.memory_space<vmem>> -> memref<1x64x128xf32, #tpu.memory_space<vmem>>
    %gather3A_597 = tpu.memref_squeeze %gather3A_596 : memref<1x64x128xf32, #tpu.memory_space<vmem>> -> memref<64x128xf32, #tpu.memory_space<vmem>>
    %gather3A_598 = tpu.vector_load_idx %gather3A_597[%add3A_592, %broadcast_in_dim3A] : memref<64x128xf32, #tpu.memory_space<vmem>>[vector<16xi32>, vector<16xi32>], vector<16xf32>,
    %gather3A_599 = arith.constant 1 : i32
    %gather3A_600 = arith.constant 0 : i32
    %gather3A_601 = arith.constant 0 : i32
    %gather3A_602 = tpu.memref_slice %arg6[%gather3A_599, %gather3A_600, %gather3A_601] : memref<2x64x128xf32, #tpu.memory_space<vmem>> -> memref<1x64x128xf32, #tpu.memory_space<vmem>>
    %gather3A_603 = tpu.memref_squeeze %gather3A_602 : memref<1x64x128xf32, #tpu.memory_space<vmem>> -> memref<64x128xf32, #tpu.memory_space<vmem>>
    %gather3A_604 = tpu.vector_load_idx %gather3A_603[%add3A_592, %broadcast_in_dim3A_63] : memref<64x128xf32, #tpu.memory_space<vmem>>[vector<16xi32>, vector<16xi32>], vector<16xf32>,
    %sub3A_605 = arith.subf %gather3A_604, %gather3A_598 : vector<16xf32>
    %mul3A_606 = arith.constant 0.000000e+00 : f32
    %mul3A_607 = vector.broadcast %mul3A_606 : f32 to vector<16xf32>
    %mul3A_608 = arith.mulf %mul3A_607, %sub3A_605 : vector<16xf32>
    %add3A_609 = arith.addf %gather3A_598, %mul3A_608 : vector<16xf32>
    %swap3A_610 = arith.constant 0 : i32
    %swap3A_611 = arith.index_cast %swap3A_610 : i32 to index
    %swap3A_612 = arith.constant 48 : index
    %swap3A_613 = tpu.vector_load %arg7[%swap3A_611, %swap3A_612] {strides = array<i32>} : memref<20x64xf32, #tpu.memory_space<vmem>>, vector<16xf32>,
    tpu.vector_store %arg7[%swap3A_611, %swap3A_612], %add3A_609 {strides = array<i32>} : memref<20x64xf32, #tpu.memory_space<vmem>>, vector<16xf32>,
    %mul3A_614 = arith.constant 0.0526315793 : f32
    %mul3A_615 = vector.broadcast %mul3A_614 : f32 to vector<16xf32>
    %mul3A_616 = arith.mulf %mul3A_615, %sub3A_605 : vector<16xf32>
    %add3A_617 = arith.addf %gather3A_598, %mul3A_616 : vector<16xf32>
    %swap3A_618 = arith.constant 1 : i32
    %swap3A_619 = arith.index_cast %swap3A_618 : i32 to index
    %swap3A_620 = arith.constant 48 : index
    %swap3A_621 = tpu.vector_load %arg7[%swap3A_619, %swap3A_620] {strides = array<i32>} : memref<20x64xf32, #tpu.memory_space<vmem>>, vector<16xf32>,
    tpu.vector_store %arg7[%swap3A_619, %swap3A_620], %add3A_617 {strides = array<i32>} : memref<20x64xf32, #tpu.memory_space<vmem>>, vector<16xf32>,
    %mul3A_622 = arith.constant 0.105263159 : f32
    %mul3A_623 = vector.broadcast %mul3A_622 : f32 to vector<16xf32>
    %mul3A_624 = arith.mulf %mul3A_623, %sub3A_605 : vector<16xf32>
    %add3A_625 = arith.addf %gather3A_598, %mul3A_624 : vector<16xf32>
    %swap3A_626 = arith.constant 2 : i32
    %swap3A_627 = arith.index_cast %swap3A_626 : i32 to index
    %swap3A_628 = arith.constant 48 : index
    %swap3A_629 = tpu.vector_load %arg7[%swap3A_627, %swap3A_628] {strides = array<i32>} : memref<20x64xf32, #tpu.memory_space<vmem>>, vector<16xf32>,
    tpu.vector_store %arg7[%swap3A_627, %swap3A_628], %add3A_625 {strides = array<i32>} : memref<20x64xf32, #tpu.memory_space<vmem>>, vector<16xf32>,
    %mul3A_630 = arith.constant 0.157894731 : f32
    %mul3A_631 = vector.broadcast %mul3A_630 : f32 to vector<16xf32>
    %mul3A_632 = arith.mulf %mul3A_631, %sub3A_605 : vector<16xf32>
    %add3A_633 = arith.addf %gather3A_598, %mul3A_632 : vector<16xf32>
    %swap3A_634 = arith.constant 3 : i32
    %swap3A_635 = arith.index_cast %swap3A_634 : i32 to index
    %swap3A_636 = arith.constant 48 : index
    %swap3A_637 = tpu.vector_load %arg7[%swap3A_635, %swap3A_636] {strides = array<i32>} : memref<20x64xf32, #tpu.memory_space<vmem>>, vector<16xf32>,
    tpu.vector_store %arg7[%swap3A_635, %swap3A_636], %add3A_633 {strides = array<i32>} : memref<20x64xf32, #tpu.memory_space<vmem>>, vector<16xf32>,
    %mul3A_638 = arith.constant 0.210526317 : f32
    %mul3A_639 = vector.broadcast %mul3A_638 : f32 to vector<16xf32>
    %mul3A_640 = arith.mulf %mul3A_639, %sub3A_605 : vector<16xf32>
    %add3A_641 = arith.addf %gather3A_598, %mul3A_640 : vector<16xf32>
    %swap3A_642 = arith.constant 4 : i32
    %swap3A_643 = arith.index_cast %swap3A_642 : i32 to index
    %swap3A_644 = arith.constant 48 : index
    %swap3A_645 = tpu.vector_load %arg7[%swap3A_643, %swap3A_644] {strides = array<i32>} : memref<20x64xf32, #tpu.memory_space<vmem>>, vector<16xf32>,
    tpu.vector_store %arg7[%swap3A_643, %swap3A_644], %add3A_641 {strides = array<i32>} : memref<20x64xf32, #tpu.memory_space<vmem>>, vector<16xf32>,
    %mul3A_646 = arith.constant 0.263157904 : f32
    %mul3A_647 = vector.broadcast %mul3A_646 : f32 to vector<16xf32>
    %mul3A_648 = arith.mulf %mul3A_647, %sub3A_605 : vector<16xf32>
    %add3A_649 = arith.addf %gather3A_598, %mul3A_648 : vector<16xf32>
    %swap3A_650 = arith.constant 5 : i32
    %swap3A_651 = arith.index_cast %swap3A_650 : i32 to index
    %swap3A_652 = arith.constant 48 : index
    %swap3A_653 = tpu.vector_load %arg7[%swap3A_651, %swap3A_652] {strides = array<i32>} : memref<20x64xf32, #tpu.memory_space<vmem>>, vector<16xf32>,
    tpu.vector_store %arg7[%swap3A_651, %swap3A_652], %add3A_649 {strides = array<i32>} : memref<20x64xf32, #tpu.memory_space<vmem>>, vector<16xf32>,
    %mul3A_654 = arith.constant 0.315789461 : f32
    %mul3A_655 = vector.broadcast %mul3A_654 : f32 to vector<16xf32>
    %mul3A_656 = arith.mulf %mul3A_655, %sub3A_605 : vector<16xf32>
    %add3A_657 = arith.addf %gather3A_598, %mul3A_656 : vector<16xf32>
    %swap3A_658 = arith.constant 6 : i32
    %swap3A_659 = arith.index_cast %swap3A_658 : i32 to index
    %swap3A_660 = arith.constant 48 : index
    %swap3A_661 = tpu.vector_load %arg7[%swap3A_659, %swap3A_660] {strides = array<i32>} : memref<20x64xf32, #tpu.memory_space<vmem>>, vector<16xf32>,
    tpu.vector_store %arg7[%swap3A_659, %swap3A_660], %add3A_657 {strides = array<i32>} : memref<20x64xf32, #tpu.memory_space<vmem>>, vector<16xf32>,
    %mul3A_662 = arith.constant 0.368421048 : f32
    %mul3A_663 = vector.broadcast %mul3A_662 : f32 to vector<16xf32>
    %mul3A_664 = arith.mulf %mul3A_663, %sub3A_605 : vector<16xf32>
    %add3A_665 = arith.addf %gather3A_598, %mul3A_664 : vector<16xf32>
    %swap3A_666 = arith.constant 7 : i32
    %swap3A_667 = arith.index_cast %swap3A_666 : i32 to index
    %swap3A_668 = arith.constant 48 : index
    %swap3A_669 = tpu.vector_load %arg7[%swap3A_667, %swap3A_668] {strides = array<i32>} : memref<20x64xf32, #tpu.memory_space<vmem>>, vector<16xf32>,
    tpu.vector_store %arg7[%swap3A_667, %swap3A_668], %add3A_665 {strides = array<i32>} : memref<20x64xf32, #tpu.memory_space<vmem>>, vector<16xf32>,
    %mul3A_670 = arith.constant 0.421052635 : f32
    %mul3A_671 = vector.broadcast %mul3A_670 : f32 to vector<16xf32>
    %mul3A_672 = arith.mulf %mul3A_671, %sub3A_605 : vector<16xf32>
    %add3A_673 = arith.addf %gather3A_598, %mul3A_672 : vector<16xf32>
    %swap3A_674 = arith.constant 8 : i32
    %swap3A_675 = arith.index_cast %swap3A_674 : i32 to index
    %swap3A_676 = arith.constant 48 : index
    %swap3A_677 = tpu.vector_load %arg7[%swap3A_675, %swap3A_676] {strides = array<i32>} : memref<20x64xf32, #tpu.memory_space<vmem>>, vector<16xf32>,
    tpu.vector_store %arg7[%swap3A_675, %swap3A_676], %add3A_673 {strides = array<i32>} : memref<20x64xf32, #tpu.memory_space<vmem>>, vector<16xf32>,
    %mul3A_678 = arith.constant 0.473684222 : f32
    %mul3A_679 = vector.broadcast %mul3A_678 : f32 to vector<16xf32>
    %mul3A_680 = arith.mulf %mul3A_679, %sub3A_605 : vector<16xf32>
    %add3A_681 = arith.addf %gather3A_598, %mul3A_680 : vector<16xf32>
    %swap3A_682 = arith.constant 9 : i32
    %swap3A_683 = arith.index_cast %swap3A_682 : i32 to index
    %swap3A_684 = arith.constant 48 : index
    %swap3A_685 = tpu.vector_load %arg7[%swap3A_683, %swap3A_684] {strides = array<i32>} : memref<20x64xf32, #tpu.memory_space<vmem>>, vector<16xf32>,
    tpu.vector_store %arg7[%swap3A_683, %swap3A_684], %add3A_681 {strides = array<i32>} : memref<20x64xf32, #tpu.memory_space<vmem>>, vector<16xf32>,
    %mul3A_686 = arith.constant 0.526315808 : f32
    %mul3A_687 = vector.broadcast %mul3A_686 : f32 to vector<16xf32>
    %mul3A_688 = arith.mulf %mul3A_687, %sub3A_605 : vector<16xf32>
    %add3A_689 = arith.addf %gather3A_598, %mul3A_688 : vector<16xf32>
    %swap3A_690 = arith.constant 10 : i32
    %swap3A_691 = arith.index_cast %swap3A_690 : i32 to index
    %swap3A_692 = arith.constant 48 : index
    %swap3A_693 = tpu.vector_load %arg7[%swap3A_691, %swap3A_692] {strides = array<i32>} : memref<20x64xf32, #tpu.memory_space<vmem>>, vector<16xf32>,
    tpu.vector_store %arg7[%swap3A_691, %swap3A_692], %add3A_689 {strides = array<i32>} : memref<20x64xf32, #tpu.memory_space<vmem>>, vector<16xf32>,
    %mul3A_694 = arith.constant 0.578947365 : f32
    %mul3A_695 = vector.broadcast %mul3A_694 : f32 to vector<16xf32>
    %mul3A_696 = arith.mulf %mul3A_695, %sub3A_605 : vector<16xf32>
    %add3A_697 = arith.addf %gather3A_598, %mul3A_696 : vector<16xf32>
    %swap3A_698 = arith.constant 11 : i32
    %swap3A_699 = arith.index_cast %swap3A_698 : i32 to index
    %swap3A_700 = arith.constant 48 : index
    %swap3A_701 = tpu.vector_load %arg7[%swap3A_699, %swap3A_700] {strides = array<i32>} : memref<20x64xf32, #tpu.memory_space<vmem>>, vector<16xf32>,
    tpu.vector_store %arg7[%swap3A_699, %swap3A_700], %add3A_697 {strides = array<i32>} : memref<20x64xf32, #tpu.memory_space<vmem>>, vector<16xf32>,
    %mul3A_702 = arith.constant 0.631578922 : f32
    %mul3A_703 = vector.broadcast %mul3A_702 : f32 to vector<16xf32>
    %mul3A_704 = arith.mulf %mul3A_703, %sub3A_605 : vector<16xf32>
    %add3A_705 = arith.addf %gather3A_598, %mul3A_704 : vector<16xf32>
    %swap3A_706 = arith.constant 12 : i32
    %swap3A_707 = arith.index_cast %swap3A_706 : i32 to index
    %swap3A_708 = arith.constant 48 : index
    %swap3A_709 = tpu.vector_load %arg7[%swap3A_707, %swap3A_708] {strides = array<i32>} : memref<20x64xf32, #tpu.memory_space<vmem>>, vector<16xf32>,
    tpu.vector_store %arg7[%swap3A_707, %swap3A_708], %add3A_705 {strides = array<i32>} : memref<20x64xf32, #tpu.memory_space<vmem>>, vector<16xf32>,
    %mul3A_710 = arith.constant 0.684210539 : f32
    %mul3A_711 = vector.broadcast %mul3A_710 : f32 to vector<16xf32>
    %mul3A_712 = arith.mulf %mul3A_711, %sub3A_605 : vector<16xf32>
    %add3A_713 = arith.addf %gather3A_598, %mul3A_712 : vector<16xf32>
    %swap3A_714 = arith.constant 13 : i32
    %swap3A_715 = arith.index_cast %swap3A_714 : i32 to index
    %swap3A_716 = arith.constant 48 : index
    %swap3A_717 = tpu.vector_load %arg7[%swap3A_715, %swap3A_716] {strides = array<i32>} : memref<20x64xf32, #tpu.memory_space<vmem>>, vector<16xf32>,
    tpu.vector_store %arg7[%swap3A_715, %swap3A_716], %add3A_713 {strides = array<i32>} : memref<20x64xf32, #tpu.memory_space<vmem>>, vector<16xf32>,
    %mul3A_718 = arith.constant 0.736842095 : f32
    %mul3A_719 = vector.broadcast %mul3A_718 : f32 to vector<16xf32>
    %mul3A_720 = arith.mulf %mul3A_719, %sub3A_605 : vector<16xf32>
    %add3A_721 = arith.addf %gather3A_598, %mul3A_720 : vector<16xf32>
    %swap3A_722 = arith.constant 14 : i32
    %swap3A_723 = arith.index_cast %swap3A_722 : i32 to index
    %swap3A_724 = arith.constant 48 : index
    %swap3A_725 = tpu.vector_load %arg7[%swap3A_723, %swap3A_724] {strides = array<i32>} : memref<20x64xf32, #tpu.memory_space<vmem>>, vector<16xf32>,
    tpu.vector_store %arg7[%swap3A_723, %swap3A_724], %add3A_721 {strides = array<i32>} : memref<20x64xf32, #tpu.memory_space<vmem>>, vector<16xf32>,
    %mul3A_726 = arith.constant 0.789473712 : f32
    %mul3A_727 = vector.broadcast %mul3A_726 : f32 to vector<16xf32>
    %mul3A_728 = arith.mulf %mul3A_727, %sub3A_605 : vector<16xf32>
    %add3A_729 = arith.addf %gather3A_598, %mul3A_728 : vector<16xf32>
    %swap3A_730 = arith.constant 15 : i32
    %swap3A_731 = arith.index_cast %swap3A_730 : i32 to index
    %swap3A_732 = arith.constant 48 : index
    %swap3A_733 = tpu.vector_load %arg7[%swap3A_731, %swap3A_732] {strides = array<i32>} : memref<20x64xf32, #tpu.memory_space<vmem>>, vector<16xf32>,
    tpu.vector_store %arg7[%swap3A_731, %swap3A_732], %add3A_729 {strides = array<i32>} : memref<20x64xf32, #tpu.memory_space<vmem>>, vector<16xf32>,
    %mul3A_734 = arith.constant 0.842105269 : f32
    %mul3A_735 = vector.broadcast %mul3A_734 : f32 to vector<16xf32>
    %mul3A_736 = arith.mulf %mul3A_735, %sub3A_605 : vector<16xf32>
    %add3A_737 = arith.addf %gather3A_598, %mul3A_736 : vector<16xf32>
    %swap3A_738 = arith.constant 16 : i32
    %swap3A_739 = arith.index_cast %swap3A_738 : i32 to index
    %swap3A_740 = arith.constant 48 : index
    %swap3A_741 = tpu.vector_load %arg7[%swap3A_739, %swap3A_740] {strides = array<i32>} : memref<20x64xf32, #tpu.memory_space<vmem>>, vector<16xf32>,
    tpu.vector_store %arg7[%swap3A_739, %swap3A_740], %add3A_737 {strides = array<i32>} : memref<20x64xf32, #tpu.memory_space<vmem>>, vector<16xf32>,
    %mul3A_742 = arith.constant 0.894736826 : f32
    %mul3A_743 = vector.broadcast %mul3A_742 : f32 to vector<16xf32>
    %mul3A_744 = arith.mulf %mul3A_743, %sub3A_605 : vector<16xf32>
    %add3A_745 = arith.addf %gather3A_598, %mul3A_744 : vector<16xf32>
    %swap3A_746 = arith.constant 17 : i32
    %swap3A_747 = arith.index_cast %swap3A_746 : i32 to index
    %swap3A_748 = arith.constant 48 : index
    %swap3A_749 = tpu.vector_load %arg7[%swap3A_747, %swap3A_748] {strides = array<i32>} : memref<20x64xf32, #tpu.memory_space<vmem>>, vector<16xf32>,
    tpu.vector_store %arg7[%swap3A_747, %swap3A_748], %add3A_745 {strides = array<i32>} : memref<20x64xf32, #tpu.memory_space<vmem>>, vector<16xf32>,
    %mul3A_750 = arith.constant 0.947368443 : f32
    %mul3A_751 = vector.broadcast %mul3A_750 : f32 to vector<16xf32>
    %mul3A_752 = arith.mulf %mul3A_751, %sub3A_605 : vector<16xf32>
    %add3A_753 = arith.addf %gather3A_598, %mul3A_752 : vector<16xf32>
    %swap3A_754 = arith.constant 18 : i32
    %swap3A_755 = arith.index_cast %swap3A_754 : i32 to index
    %swap3A_756 = arith.constant 48 : index
    %swap3A_757 = tpu.vector_load %arg7[%swap3A_755, %swap3A_756] {strides = array<i32>} : memref<20x64xf32, #tpu.memory_space<vmem>>, vector<16xf32>,
    tpu.vector_store %arg7[%swap3A_755, %swap3A_756], %add3A_753 {strides = array<i32>} : memref<20x64xf32, #tpu.memory_space<vmem>>, vector<16xf32>,
    %mul3A_758 = arith.constant 1.000000e+00 : f32
    %mul3A_759 = vector.broadcast %mul3A_758 : f32 to vector<16xf32>
    %mul3A_760 = arith.mulf %mul3A_759, %sub3A_605 : vector<16xf32>
    %add3A_761 = arith.addf %gather3A_598, %mul3A_760 : vector<16xf32>
    %swap3A_762 = arith.constant 19 : i32
    %swap3A_763 = arith.index_cast %swap3A_762 : i32 to index
    %swap3A_764 = arith.constant 48 : index
    %swap3A_765 = tpu.vector_load %arg7[%swap3A_763, %swap3A_764] {strides = array<i32>} : memref<20x64xf32, #tpu.memory_space<vmem>>, vector<16xf32>,
    tpu.vector_store %arg7[%swap3A_763, %swap3A_764], %add3A_761 {strides = array<i32>} : memref<20x64xf32, #tpu.memory_space<vmem>>, vector<16xf32>,
    "tpu.region"() ({
      %run_scoped3A = tpu.sem_alloc : memref<!tpu.dma_semaphore, #tpu.memory_space<semaphore_mem>>
      tpu.enqueue_dma source(%arg7 : memref<20x64xf32, #tpu.memory_space<vmem>>) target(%arg4 : memref<20x64xf32, #tpu.memory_space<hbm>>) target_semaphore(%run_scoped3A : memref<!tpu.dma_semaphore, #tpu.memory_space<semaphore_mem>>)
      tpu.wait_dma2 semaphore(%run_scoped3A : memref<!tpu.dma_semaphore, #tpu.memory_space<semaphore_mem>>) src(%arg7 : memref<20x64xf32, #tpu.memory_space<vmem>>) dst(%arg4 : memref<20x64xf32, #tpu.memory_space<hbm>>)
      tpu.yield
    }) : () -> ()
    return
  }
}

</mosaic_0001>

<sc_bundles>
// kernel: kernel.3.cloned.1.call-start
scs
__scs_entry_jumppad:
0x0: {  	(pc) =	sbr.rel $0x88, $3  }
0x1: {  	(tag) =	ssettag $0x0;
	lr =	simm.s32 $0x1  }
0x2: {  	[smem:$0x3F9E] =	sst lr;
	_ =	strace $0xD0000000  }
0x3: {  	_ = 	snop  }
0x4: {  	_ = 	snop  }
0x5: {  	_ = 	snop  }
0x6: {  	_ = 	snop  }
0x7: {  	_ = 	snop  }
__scs_overlays_trampoline_lowered:
0x8: {  	[smem:$0x3FAD] =	sst s0  }
0x9: {  	[smem:$0x3FAE] =	sst s1  }
0xa: {  	[smem:$0x3FAF] =	sst s2  }
0xb: {  	[smem:$0x3FB0] =	sst s3  }
0xc: {  	[smem:$0x3FB1] =	sst s4  }
0xd: {  	[smem:$0x3FB2] =	sst s5  }
0xe: {  	[smem:$0x3FB3] =	sst s6  }
0xf: {  	[smem:$0x3FB4] =	sst s7  }
0x10: {  	[smem:$0x3FB5] =	sst s8  }
0x11: {  	[smem:$0x3FB6] =	sst s9;
	s0 =	simm.s32 @!p0 $0x0  }
0x12: {  	s1 =	sld [smem:$0x3F9C];
	s0 =	simm.s32 @p0 $0x1  }
0x13: {  	[smem:$0x3FB7] =	sst s0;
	s0 =	simm.s32 @!p1 $0x0  }
0x14: {  	s2 =	sld [smem:$0x3F9B];
	s0 =	simm.s32 @p1 $0x1  }
0x15: {  	[smem:$0x3FB8] =	sst s0;
	s0 =	simm.s32 @!p2 $0x0  }
0x16: {  	s3 =	sld [smem:$0x3FDB];
	s0 =	simm.s32 @p2 $0x1  }
0x17: {  	s4 =	simm.s32 $0x1BF5;
	[smem:$0x3FBA] =	sst s0  }
0x18: {  	s0 =	sld [smem:$0x3F9D];
	_ =	swait.ge [sflag:s4], $0x0  }
0x19: {  	s7 =	sld [smem:$0x3F9E]  }
0x1a: {  	s8 =	sadd.s32 $0xFFFFE003, lr  }
0x1b: {  	s9 =	sadd.s32 $0xFFFFFEF7, lr;
	s5 =	simm.s32 $0xFFFFFFFF;
	p2 =	slt.u32 s8, $0xFFFFF086  }
0x1c: {  	p1 =	slt.u32 s9, $0xF7A;
	s5 =	simm.s32 @!p2 $0x0  }
0x1d: {  	s5 =	simm.s32 @p1 $0x1;
	p0 =	seq.s32 s7, s2  }
0x1e: {  	s7 =	smul.u32 @!p0 $0xF7A, s2;
	p2 =	seq.s32 @!p0 s5, $0x0  }
0x1f: {  	s9 =	smul.u32 $0xF7A, s1;
	s8 =	simm.s32 @!p0 $0x1BF5;
	p2 =	por !p2, p0  }
0x20: {  	[sflag:s8] =	ssyncset.s32 @!p0 $0xFFFFF086;
	s6 =	sadd.s32 @!p0 s3, s7;
	s7 =	simm.s32 @!p0 $0x108  }
0x21: {  	s3 =	sadd.s32 s3, s9;
	s6 =	sadd.s32 @!p0 $0x88, s6;
	s7 =	simm.s32 @p2 $0x1082  }
0x22: {  	[simem:s7], [sflag:s8] =	dma.local @!p0 [hbm:s6], $0xF7A  }
0x23: {  	s9 =	sor.u32 $0xD0000000, s2;
	s6 =	simm.s32 $0x108;
	_ =	swait.ge @!p0 [sflag:s8], $0x0  }
0x24: {  	s3 =	sadd.s32 $0x88, s3;
	s6 =	simm.s32 @!p1 $0x1082;
	[sflag:s4] =	ssyncset.s32 $0xFFFFF086  }
0x25: {  	[simem:s6], [sflag:s4] =	dma.local [hbm:s3], $0xF7A  }
0x26: {  	[smem:$0x3F9E] =	sst s1;
	(tag) =	ssettag s2;
	_ =	strace s9  }
0x27: {  	s1 =	sld [smem:$0x3FAE]  }
0x28: {  	s2 =	sld [smem:$0x3FAF]  }
0x29: {  	s4 =	sld [smem:$0x3FB1]  }
0x2a: {  	p0 =	seq.s32 s5, $0x0;
	s5 =	sld [smem:$0x3FB2]  }
0x2b: {  	s6 =	sld [smem:$0x3FB3]  }
0x2c: {  	s7 =	sld [smem:$0x3FB4]  }
0x2d: {  	s3 =	simm.s32 $0x108;
	s8 =	sld [smem:$0x3FB5]  }
0x2e: {  	s3 =	simm.s32 @!p0 $0x1082;
	s9 =	sld [smem:$0x3FB6]  }
0x2f: {  	lr =	sadd.s32 s0, s3;
	s0 =	sld [smem:$0x3FAD]  }
0x30: {  	s3 =	sld [smem:$0x3FB0]  }
0x31: {  	[smem:$0x3FB9] =	sst s10  }
0x32: {  	s10 =	sld [smem:$0x3FB7];
	_ =	sdelay $0x3  }
0x33: {  	p0 =	seq.s32 s10, $0x1;
	s10 =	sld [smem:$0x3FB9];
	_ =	sdelay $0x3  }
0x34: {  	[smem:$0x3FB9] =	sst s10  }
0x35: {  	s10 =	sld [smem:$0x3FB8];
	_ =	sdelay $0x3  }
0x36: {  	p1 =	seq.s32 s10, $0x1;
	s10 =	sld [smem:$0x3FB9];
	_ =	sdelay $0x3  }
0x37: {  	[smem:$0x3FB9] =	sst s10  }
0x38: {  	s10 =	sld [smem:$0x3FBA]  }
0x39: {  	_ = 	snop;
	(pc) =	sbr.ind lr, $3  }
0x3a: {  	_ = 	snop  }
0x3b: {  	_ = 	snop  }
0x3c: {  	p2 =	seq.s32 s10, $0x1;
	s10 =	sld [smem:$0x3FB9]  }
0x3d: {  	_ =	shalt  }
0x3e: {  	_ =	shalt  }
0x3f: {  	_ =	shalt  }
0x40: {  	_ =	shalt  }
0x41: {  	_ =	shalt  }
0x42: {  	_ =	shalt  }
0x43: {  	_ =	shalt  }
0x44: {  	_ =	shalt  }
0x45: {  	_ =	shalt  }
0x46: {  	_ =	shalt  }
0x47: {  	_ =	shalt  }
0x48: {  	_ =	shalt  }
0x49: {  	_ =	shalt  }
0x4a: {  	_ =	shalt  }
0x4b: {  	_ =	shalt  }
0x4c: {  	_ =	shalt  }
0x4d: {  	_ =	shalt  }
0x4e: {  	_ =	shalt  }
0x4f: {  	_ =	shalt  }
0x50: {  	_ =	shalt  }
0x51: {  	_ =	shalt  }
0x52: {  	_ =	shalt  }
0x53: {  	_ =	shalt  }
0x54: {  	_ =	shalt  }
0x55: {  	_ =	shalt  }
0x56: {  	_ =	shalt  }
0x57: {  	_ =	shalt  }
0x58: {  	_ =	shalt  }
0x59: {  	_ =	shalt  }
0x5a: {  	_ =	shalt  }
0x5b: {  	_ =	shalt  }
0x5c: {  	_ =	shalt  }
0x5d: {  	_ =	shalt  }
0x5e: {  	_ =	shalt  }
0x5f: {  	_ =	shalt  }
0x60: {  	_ =	shalt  }
0x61: {  	_ =	shalt  }
0x62: {  	_ =	shalt  }
0x63: {  	_ =	shalt  }
0x64: {  	_ =	shalt  }
0x65: {  	_ =	shalt  }
0x66: {  	_ =	shalt  }
0x67: {  	_ =	shalt  }
0x68: {  	_ =	shalt  }
0x69: {  	_ =	shalt  }
0x6a: {  	_ =	shalt  }
0x6b: {  	_ =	shalt  }
0x6c: {  	_ =	shalt  }
0x6d: {  	_ =	shalt  }
0x6e: {  	_ =	shalt  }
0x6f: {  	_ =	shalt  }
0x70: {  	_ =	shalt  }
0x71: {  	_ =	shalt  }
0x72: {  	_ =	shalt  }
0x73: {  	_ =	shalt  }
0x74: {  	_ =	shalt  }
0x75: {  	_ =	shalt  }
0x76: {  	_ =	shalt  }
0x77: {  	_ =	shalt  }
0x78: {  	_ =	shalt  }
0x79: {  	_ =	shalt  }
0x7a: {  	_ =	shalt  }
0x7b: {  	_ =	shalt  }
0x7c: {  	_ =	shalt  }
0x7d: {  	_ =	shalt  }
0x7e: {  	_ =	shalt  }
0x7f: {  	_ =	shalt  }
0x80: {  	_ =	shalt  }
0x81: {  	_ =	shalt  }
0x82: {  	_ =	shalt  }
0x83: {  	_ =	shalt  }
0x84: {  	_ =	shalt  }
0x85: {  	_ =	shalt  }
0x86: {  	_ =	shalt  }
0x87: {  	_ =	shalt  }
.Lfunc_end0:
.L_simem_size_0:
called_computation_lowered:
.L_overlay_start_0:
0x88: {  	s0 =	sld [smem:$0x3FD9]  }
0x89: {  	s1 =	sld [smem:$0x3FFE];
	_ =	sdelay $0x3  }
0x8a: {  	s0 =	sadd.s32 s1, s0  }
0x8b: {  	[smem:$0x3FC5] =	sst s0  }
0x8c: {  	_ = 	snop  }
0x8d: {  	s0 =	sld [smem:$0x3FC9]  }
0x8e: {  	s16 =	sld [smem:$0x3FD0];
	(tm) =	ssettm $0x1  }
0x8f: {  	s2 =	sld [smem:$0x3FFB];
	_ =	sdelay $0x3  }
0x90: {  	_ =	strace s2  }
0x91: {  	s2 =	sld [smem:$0x3FFC];
	_ =	sdelay $0x3  }
0x92: {  	_ =	strace s2  }
0x93: {  	s2 =	sld [smem:$0x3FFD];
	_ =	sdelay $0x3  }
0x94: {  	_ =	strace s2  }
0x95: {  	_ =	strace $0x8FFFFFFF  }
0x96: {  	s17 =	sld [smem:$0x3FDB];
	_ =	sdelay $0x1  }
0x97: {  	s3 =	simm.s32 $_scs_section_size  }
0x98: {  	s4 =	simm.s32 $_size__tile_overlayer_lowered;
	s5 =	simm.s32 $_tile_overlayer_lowered  }
0x99: {  	s20 =	simm.s32 $0x1BFF;
	s19 =	sshll.u32 s5, $0x1;
	s2 =	sadd.s32 s3, s17  }
0x9a: {  	s6 =	simm.s32 $0x0;
	s18 =	sshll.u32 s4, $0x1;
	s4 =	sadd.s32 s19, s2  }
0x9b: {  	[timem:s6], [sflag:s20] =	dma.local [hbm:s4], s18  }
0x9c: {  	_ =	swait.ge [sflag:s20], s18  }
0x9d: {  	s3 =	ssub.s32 $0x0, s18;
	[sflag:s20] =	ssyncset.done $0x0  }
0x9e: {  	[sflag:s20] =	ssyncadd.s32 s3;
	_ =	sdelay $0x1  }
0x9f: {  	s21 =	simm.s32 $0x1B8B  }
0xa0: {  	_ =	swait.ge [sflag:s21], $0x1  }
0xa1: {  	[sflag:s21] =	ssyncset.done $0x0  }
0xa2: {  	s23 =	simm.s32 $0x1B8E;
	s22 =	sld [smem:$0x3FFE];
	[sflag:s21] =	ssyncadd.s32 $0xFFFFFFFF  }
0xa3: {  	s24 =	simm.s32 $execute0_lowered;
	[smem:$0x3FD2] =	sst s23  }
0xa4: {  	s4 =	sshll.u32 s24, $0x1;
	_ =	strace $0x80000046;
	[dreg:$0x1] =	wrdreg $0xFFFFFFFF  }
0xa5: {  	s25 =	simm.s32 $_size_execute0_lowered;
	s2 =	sadd.s32 s2, s4;
	[dreg:$0x0] =	wrdreg $0x0  }
0xa6: {  	s4 =	sshll.u32 s25, $0x1;
	[dreg:$0x2] =	wrdreg s2  }
0xa7: {  	[dreg:$0x3] =	wrdreg s4  }
0xa8: {  	[dreg:$0x4] =	wrdreg $0xC0  }
0xa9: {  	_ =	task [dreg:s6], $0x5FFFF  }
0xaa: {  	[dreg:$0x1] =	wrdreg $0xFFFFFFFF  }
0xab: {  	[dreg:$0x0] =	wrdreg $0x60  }
0xac: {  	[dreg:$0x2] =	wrdreg s0  }
0xad: {  	[dreg:$0x3] =	wrdreg s22  }
0xae: {  	[dreg:$0x4] =	wrdreg s16  }
0xaf: {  	[dreg:$0x5] =	wrdreg $0x9  }
0xb0: {  	_ =	task.clear_ibuf [dreg:s6], $0x6FFFF;
	_ =	strace $0x90000046  }
0xb1: {  	s26 =	simm.s32 $0x9;
	_ =	strace $0x80000048  }
0xb2: {  	_ =	swait.ge [sflag:s26], $0x1  }
0xb3: {  	[sflag:s26] =	ssyncadd.s32 $0xFFFFFFFF  }
0xb4: {  	_ =	strace $0x90000048  }
0xb5: {  	_ =	sfence  }
0xb6: {  	s28 =	sld [smem:$0x0];
	_ =	sdelay $0x1  }
0xb7: {  	s29 =	srdreg.scid  }
0xb8: {  	s30 =	sshll.u32 s29, $0xD;
	s31 =	sshrl.u32 s29, $0x2  }
0xb9: {  	s1 =	sand.u32 $0x1, s29;
	s2 =	sand.u32 $0x4000, s30;
	s0 =	sadd.s32 s31, s28  }
0xba: {  	s1 =	sor.u32 s2, s1;
	s0 =	sshll.u32 s0, $0x11  }
0xbb: {  	s0 =	sor.u32 s0, s1  }
0xbc: {  	s0 =	sadd.s32 $0x8F2B, s0  }
0xbd: {  	[sflag:s0] =	ssyncadd.remote.s32 $0x1  }
0xbe: {  	_ =	sfence.sel $0xFFFF  }
0xbf: {  	[dreg:$0x0] =	wrdreg $0xFFFFFFFF;
	(pc) =	sbr.abs _section_cstart, $3  }
0xc0: {  	[dreg:$0x1] =	wrdreg $0xFFFFFFFF  }
0xc1: {  	_ =	task.clear_ibuf [dreg:s6], $0x2FFFF;
	_ =	strace $0x9FFFFFFF  }
0xc2: {  	(tm) =	ssettm $0x7FFFFFFF  }
0xc3: {  	_ =	shalt  }
tec
execute0_lowered:
.L_overlay_start_1:
0x0: {  	(tag) =	ssettag $0x1  }
0x1: {  	s4 =	stileid.u32  }
0x2: {  	p0 =	sne.s32 s4, $0x0  }
.Ltmp0:
0x3: {  	s5 =	rddreg [dreg:$0x0];
	(pc) =	sbr.rel @p0 .LBB2_2-.Ltmp0, $4  }
0x4: {  	s3 =	rddreg [dreg:$0x1]  }
0x5: {  	s1 =	rddreg [dreg:$0x2];
	s2 =	simm.s32 $0x0  }
0x6: {  	[smem:$0x7FF] =	sst s2  }
0x7: {  	s0 =	rddreg [dreg:$0x3];
	_ =	strace $0x80000047  }
0x8: {  	s3 =	sadd.s32 $0x600, s3;
	s23 =	simm.s32 $0x2  }
0x9: {  	[tilespmem:s2], [sflag:$0x2] =	stream.linear.gather [hbm4b:s3+s2], $0x2, $0x38;
	[tilespmem:$0x4C80] =	vst v63  }
0xa: {  	_ =	swait.ge [sflag:s23], $0x2  }
0xb: {  	[sflag:s23] =	ssyncset.done $0x0  }
0xc: {  	[sflag:s23] =	ssyncadd.s32 $0xFFFFFFFE  }
0xd: {  	v0 =	vld [tilespmem:$0x0];
	_ =	sdelay $0x4  }
0xe: {  	(v2sf) =	vpush v0, $0x0  }
0xf: {  	(v2sf) =	vpush v0, $0x1;
	_ =	sdelay $0xd  }
0x10: {  	s9 =	simm.s32 $0x400;
	s6 =	spop (v2sf)  }
0x11: {  	s10 =	simm.s32 $0x7A1400;
	s4 =	sand.u32 $0xFFFFF80, s6;
	s8 =	spop (v2sf)  }
0x12: {  	s24 =	simm.s32 $0x80;
	s7 =	sadd.s32 s5, s4;
	s25 =	sand.u32 $0xFFFFF80, s8  }
0x13: {  	[tilespmem:s24], [sflag:$0x1] =	stream.strided.gather [hbm4b:s7+s9], $0x2000, s10, s9, $0x38;
	[tilespmem:$0x4C80] =	vst v63  }
0x14: {  	s26 =	simm.s32 $0x2080;
	v25 =	vlaneseq.u32;
	s28 =	simm.s32 $0x1;
	s7 =	sadd.s32 s5, s25  }
0x15: {  	v0 =	vmul.u32 $0x80, v25;
	[tilespmem:s26], [sflag:$0x1] =	stream.strided.gather [hbm4b:s7+s9], $0x2000, s10, s9, $0x38;
	[tilespmem:$0x4C80] =	vst v63  }
0x16: {  	s29 =	sand.u32 $0x7F, s6;
	_ =	swait.ge [sflag:s28], $0x2000  }
0x17: {  	s30 =	sand.u32 $0x7F, s8;
	v1 =	vor.u32 s29, v0;
	[sflag:s28] =	ssyncset.done $0x0  }
0x18: {  	v2 =	vor.u32 s30, v0;
	[sflag:s28] =	ssyncadd.s32 $0xFFFFE000  }
0x19: {  	_ =	swait.ge [sflag:s28], $0x2000  }
0x1a: {  	[sflag:s28] =	ssyncset.done $0x0  }
0x1b: {  	[sflag:s28] =	ssyncadd.s32 $0xFFFFE000  }
0x1c: {  	v1 =	vld.idx.msk [tilespmem:v1+s24+$0x0], $0xffff  }
0x1d: {  	v2 =	vld.idx.msk [tilespmem:v2+s26+$0x0], $0xffff;
	_ =	sdelay $0x4  }
0x1e: {  	v2 =	vsub.f32 v2, v1;
	_ =	sdelay $0x1  }
0x1f: {  	v3 =	vmul.f32 $0.0e+00, v2  }
0x20: {  	v4 =	vmul.f32 $5.263157930e-02, v2  }
0x21: {  	v5 =	vmul.f32 $1.052631590e-01, v2;
	v3 =	vadd.f32 v3, v1  }
0x22: {  	v6 =	vmul.f32 $1.578947310e-01, v2;
	v4 =	vadd.f32 v4, v1  }
0x23: {  	v27 =	vmul.f32 $2.105263170e-01, v2;
	v26 =	vadd.f32 v5, v1;
	[tilespmem:$0x4080] =	vst v3  }
0x24: {  	v29 =	vmul.f32 $2.631579040e-01, v2;
	v28 =	vadd.f32 v6, v1;
	[tilespmem:$0x4100] =	vst v4  }
0x25: {  	v31 =	vmul.f32 $3.157894610e-01, v2;
	v30 =	vadd.f32 v27, v1;
	[tilespmem:$0x4180] =	vst v26  }
0x26: {  	v33 =	vmul.f32 $3.684210480e-01, v2;
	v32 =	vadd.f32 v29, v1;
	[tilespmem:$0x4200] =	vst v28  }
0x27: {  	v35 =	vmul.f32 $4.210526350e-01, v2;
	v34 =	vadd.f32 v31, v1;
	[tilespmem:$0x4280] =	vst v30  }
0x28: {  	v37 =	vmul.f32 $4.736842220e-01, v2;
	v36 =	vadd.f32 v33, v1;
	[tilespmem:$0x4300] =	vst v32  }
0x29: {  	v39 =	vmul.f32 $5.263158080e-01, v2;
	v38 =	vadd.f32 v35, v1;
	[tilespmem:$0x4380] =	vst v34  }
0x2a: {  	v41 =	vmul.f32 $5.789473650e-01, v2;
	v40 =	vadd.f32 v37, v1;
	[tilespmem:$0x4400] =	vst v36  }
0x2b: {  	v43 =	vmul.f32 $6.315789220e-01, v2;
	v42 =	vadd.f32 v39, v1;
	[tilespmem:$0x4480] =	vst v38  }
0x2c: {  	v45 =	vmul.f32 $6.842105390e-01, v2;
	v44 =	vadd.f32 v41, v1;
	[tilespmem:$0x4500] =	vst v40  }
0x2d: {  	v47 =	vmul.f32 $7.368420950e-01, v2;
	v46 =	vadd.f32 v43, v1;
	[tilespmem:$0x4580] =	vst v42  }
0x2e: {  	v49 =	vmul.f32 $7.894737120e-01, v2;
	v48 =	vadd.f32 v45, v1;
	[tilespmem:$0x4600] =	vst v44  }
0x2f: {  	v51 =	vmul.f32 $8.421052690e-01, v2;
	v50 =	vadd.f32 v47, v1;
	[tilespmem:$0x4680] =	vst v46  }
0x30: {  	v53 =	vmul.f32 $8.947368260e-01, v2;
	v52 =	vadd.f32 v49, v1;
	[tilespmem:$0x4700] =	vst v48  }
0x31: {  	v7 =	vor.u32 $0x800, v0;
	v55 =	vmul.f32 $9.473684430e-01, v2;
	v54 =	vadd.f32 v51, v1;
	[tilespmem:$0x4780] =	vst v50  }
0x32: {  	v57 =	vor.u32 s29, v7;
	v56 =	vadd.f32 v53, v1;
	[tilespmem:$0x4800] =	vst v52  }
0x33: {  	v59 =	vor.u32 s30, v7;
	v58 =	vadd.f32 v55, v1;
	[tilespmem:$0x4880] =	vst v54  }
0x34: {  	v1 =	vadd.f32 v2, v1;
	[tilespmem:$0x4900] =	vst v56  }
0x35: {  	[tilespmem:$0x4980] =	vst v58  }
0x36: {  	[tilespmem:$0x4A00] =	vst v1  }
0x37: {  	v1 =	vld.idx.msk [tilespmem:v57+s24+$0x0], $0xffff  }
0x38: {  	v60 =	vld.idx.msk [tilespmem:v59+s26+$0x0], $0xffff;
	_ =	sdelay $0x4  }
0x39: {  	v2 =	vsub.f32 v60, v1;
	_ =	sdelay $0x1  }
0x3a: {  	v61 =	vmul.f32 $0.0e+00, v2  }
0x3b: {  	v62 =	vmul.f32 $5.263157930e-02, v2  }
0x3c: {  	v63 =	vmul.f32 $1.052631590e-01, v2;
	v3 =	vadd.f32 v61, v1  }
0x3d: {  	v9 =	vmul.f32 $1.578947310e-01, v2;
	v4 =	vadd.f32 v62, v1  }
0x3e: {  	v11 =	vmul.f32 $2.105263170e-01, v2;
	v10 =	vadd.f32 v63, v1;
	[tilespmem:$0x4090] =	vst v3  }
0x3f: {  	v13 =	vmul.f32 $2.631579040e-01, v2;
	v12 =	vadd.f32 v9, v1;
	[tilespmem:$0x4110] =	vst v4  }
0x40: {  	v15 =	vmul.f32 $3.157894610e-01, v2;
	v14 =	vadd.f32 v11, v1;
	[tilespmem:$0x4190] =	vst v10  }
0x41: {  	v17 =	vmul.f32 $3.684210480e-01, v2;
	v16 =	vadd.f32 v13, v1;
	[tilespmem:$0x4210] =	vst v12  }
0x42: {  	v19 =	vmul.f32 $4.210526350e-01, v2;
	v18 =	vadd.f32 v15, v1;
	[tilespmem:$0x4290] =	vst v14  }
0x43: {  	v21 =	vmul.f32 $4.736842220e-01, v2;
	v20 =	vadd.f32 v17, v1;
	[tilespmem:$0x4310] =	vst v16  }
0x44: {  	v23 =	vmul.f32 $5.263158080e-01, v2;
	v22 =	vadd.f32 v19, v1;
	[tilespmem:$0x4390] =	vst v18  }
0x45: {  	v25 =	vmul.f32 $5.789473650e-01, v2;
	v24 =	vadd.f32 v21, v1;
	[tilespmem:$0x4410] =	vst v20  }
0x46: {  	v27 =	vmul.f32 $6.315789220e-01, v2;
	v26 =	vadd.f32 v23, v1;
	[tilespmem:$0x4490] =	vst v22  }
0x47: {  	v29 =	vmul.f32 $6.842105390e-01, v2;
	v28 =	vadd.f32 v25, v1;
	[tilespmem:$0x4510] =	vst v24  }
0x48: {  	v31 =	vmul.f32 $7.368420950e-01, v2;
	v30 =	vadd.f32 v27, v1;
	[tilespmem:$0x4590] =	vst v26  }
0x49: {  	v33 =	vmul.f32 $7.894737120e-01, v2;
	v32 =	vadd.f32 v29, v1;
	[tilespmem:$0x4610] =	vst v28  }
0x4a: {  	v35 =	vmul.f32 $8.421052690e-01, v2;
	v34 =	vadd.f32 v31, v1;
	[tilespmem:$0x4690] =	vst v30  }
0x4b: {  	v37 =	vmul.f32 $8.947368260e-01, v2;
	v36 =	vadd.f32 v33, v1;
	[tilespmem:$0x4710] =	vst v32  }
0x4c: {  	v40 =	vor.u32 $0x1000, v0;
	v39 =	vmul.f32 $9.473684430e-01, v2;
	v38 =	vadd.f32 v35, v1;
	[tilespmem:$0x4790] =	vst v34  }
0x4d: {  	v42 =	vor.u32 s29, v40;
	v41 =	vadd.f32 v37, v1;
	[tilespmem:$0x4810] =	vst v36  }
0x4e: {  	v44 =	vor.u32 s30, v40;
	v43 =	vadd.f32 v39, v1;
	[tilespmem:$0x4890] =	vst v38  }
0x4f: {  	v1 =	vadd.f32 v2, v1;
	[tilespmem:$0x4910] =	vst v41  }
0x50: {  	[tilespmem:$0x4990] =	vst v43  }
0x51: {  	[tilespmem:$0x4A10] =	vst v1  }
0x52: {  	v1 =	vld.idx.msk [tilespmem:v42+s24+$0x0], $0xffff  }
0x53: {  	v45 =	vld.idx.msk [tilespmem:v44+s26+$0x0], $0xffff;
	_ =	sdelay $0x4  }
0x54: {  	v2 =	vsub.f32 v45, v1;
	_ =	sdelay $0x1  }
0x55: {  	v46 =	vmul.f32 $0.0e+00, v2  }
0x56: {  	v47 =	vmul.f32 $5.263157930e-02, v2  }
0x57: {  	v48 =	vmul.f32 $1.052631590e-01, v2;
	v3 =	vadd.f32 v46, v1  }
0x58: {  	v49 =	vmul.f32 $1.578947310e-01, v2;
	v4 =	vadd.f32 v47, v1  }
0x59: {  	v51 =	vmul.f32 $2.105263170e-01, v2;
	v50 =	vadd.f32 v48, v1;
	[tilespmem:$0x40A0] =	vst v3  }
0x5a: {  	v53 =	vmul.f32 $2.631579040e-01, v2;
	v52 =	vadd.f32 v49, v1;
	[tilespmem:$0x4120] =	vst v4  }
0x5b: {  	v55 =	vmul.f32 $3.157894610e-01, v2;
	v54 =	vadd.f32 v51, v1;
	[tilespmem:$0x41A0] =	vst v50  }
0x5c: {  	v57 =	vmul.f32 $3.684210480e-01, v2;
	v56 =	vadd.f32 v53, v1;
	[tilespmem:$0x4220] =	vst v52  }
0x5d: {  	v59 =	vmul.f32 $4.210526350e-01, v2;
	v58 =	vadd.f32 v55, v1;
	[tilespmem:$0x42A0] =	vst v54  }
0x5e: {  	v61 =	vmul.f32 $4.736842220e-01, v2;
	v60 =	vadd.f32 v57, v1;
	[tilespmem:$0x4320] =	vst v56  }
0x5f: {  	v63 =	vmul.f32 $5.263158080e-01, v2;
	v62 =	vadd.f32 v59, v1;
	[tilespmem:$0x43A0] =	vst v58  }
0x60: {  	v10 =	vmul.f32 $5.789473650e-01, v2;
	v9 =	vadd.f32 v61, v1;
	[tilespmem:$0x4420] =	vst v60  }
0x61: {  	v12 =	vmul.f32 $6.315789220e-01, v2;
	v11 =	vadd.f32 v63, v1;
	[tilespmem:$0x44A0] =	vst v62  }
0x62: {  	v14 =	vmul.f32 $6.842105390e-01, v2;
	v13 =	vadd.f32 v10, v1;
	[tilespmem:$0x4520] =	vst v9  }
0x63: {  	v16 =	vmul.f32 $7.368420950e-01, v2;
	v15 =	vadd.f32 v12, v1;
	[tilespmem:$0x45A0] =	vst v11  }
0x64: {  	v18 =	vmul.f32 $7.894737120e-01, v2;
	v17 =	vadd.f32 v14, v1;
	[tilespmem:$0x4620] =	vst v13  }
0x65: {  	v20 =	vmul.f32 $8.421052690e-01, v2;
	v19 =	vadd.f32 v16, v1;
	[tilespmem:$0x46A0] =	vst v15  }
0x66: {  	v22 =	vmul.f32 $8.947368260e-01, v2;
	v21 =	vadd.f32 v18, v1;
	[tilespmem:$0x4720] =	vst v17  }
0x67: {  	v0 =	vor.u32 $0x1800, v0;
	v24 =	vmul.f32 $9.473684430e-01, v2;
	v23 =	vadd.f32 v20, v1;
	[tilespmem:$0x47A0] =	vst v19  }
0x68: {  	v26 =	vor.u32 s29, v0;
	v25 =	vadd.f32 v22, v1;
	[tilespmem:$0x4820] =	vst v21  }
0x69: {  	v0 =	vor.u32 s30, v0;
	v27 =	vadd.f32 v24, v1;
	[tilespmem:$0x48A0] =	vst v23  }
0x6a: {  	v1 =	vadd.f32 v2, v1;
	[tilespmem:$0x4920] =	vst v25  }
0x6b: {  	[tilespmem:$0x49A0] =	vst v27  }
0x6c: {  	[tilespmem:$0x4A20] =	vst v1  }
0x6d: {  	v1 =	vld.idx.msk [tilespmem:v26+s24+$0x0], $0xffff  }
0x6e: {  	v0 =	vld.idx.msk [tilespmem:v0+s26+$0x0], $0xffff;
	_ =	sdelay $0x4  }
0x6f: {  	v0 =	vsub.f32 v0, v1;
	_ =	sdelay $0x1  }
0x70: {  	v28 =	vmul.f32 $0.0e+00, v0  }
0x71: {  	v29 =	vmul.f32 $5.263157930e-02, v0;
	v30 =	vmul.f32 $1.052631590e-01, v0  }
0x72: {  	v31 =	vmul.f32 $1.578947310e-01, v0;
	v33 =	vmul.f32 $2.105263170e-01, v0  }
0x73: {  	v35 =	vmul.f32 $2.631579040e-01, v0;
	v37 =	vmul.f32 $3.157894610e-01, v0  }
0x74: {  	v39 =	vmul.f32 $3.684210480e-01, v0;
	v41 =	vmul.f32 $4.210526350e-01, v0  }
0x75: {  	v43 =	vmul.f32 $4.736842220e-01, v0;
	v45 =	vmul.f32 $5.263158080e-01, v0  }
0x76: {  	v47 =	vmul.f32 $5.789473650e-01, v0;
	v49 =	vmul.f32 $6.315789220e-01, v0  }
0x77: {  	v51 =	vmul.f32 $6.842105390e-01, v0;
	v53 =	vmul.f32 $7.368420950e-01, v0  }
0x78: {  	v55 =	vmul.f32 $7.894737120e-01, v0;
	v57 =	vmul.f32 $8.421052690e-01, v0  }
0x79: {  	v59 =	vmul.f32 $8.947368260e-01, v0;
	v61 =	vmul.f32 $9.473684430e-01, v0;
	v0 =	vadd.f32 v0, v1  }
0x7a: {  	v2 =	vadd.f32 v28, v1  }
0x7b: {  	v3 =	vadd.f32 v29, v1;
	[tilespmem:$0x4A30] =	vst v0  }
0x7c: {  	v32 =	vadd.f32 v30, v1;
	[tilespmem:$0x40B0] =	vst v2  }
0x7d: {  	v34 =	vadd.f32 v31, v1;
	[tilespmem:$0x4130] =	vst v3  }
0x7e: {  	v36 =	vadd.f32 v33, v1;
	[tilespmem:$0x41B0] =	vst v32  }
0x7f: {  	v38 =	vadd.f32 v35, v1;
	[tilespmem:$0x4230] =	vst v34  }
0x80: {  	v40 =	vadd.f32 v37, v1;
	[tilespmem:$0x42B0] =	vst v36  }
0x81: {  	v42 =	vadd.f32 v39, v1;
	[tilespmem:$0x4330] =	vst v38  }
0x82: {  	v44 =	vadd.f32 v41, v1;
	[tilespmem:$0x43B0] =	vst v40  }
0x83: {  	v46 =	vadd.f32 v43, v1;
	[tilespmem:$0x4430] =	vst v42  }
0x84: {  	v48 =	vadd.f32 v45, v1;
	[tilespmem:$0x44B0] =	vst v44  }
0x85: {  	v50 =	vadd.f32 v47, v1;
	[tilespmem:$0x4530] =	vst v46  }
0x86: {  	v52 =	vadd.f32 v49, v1;
	[tilespmem:$0x45B0] =	vst v48  }
0x87: {  	v54 =	vadd.f32 v51, v1;
	[tilespmem:$0x4630] =	vst v50  }
0x88: {  	v56 =	vadd.f32 v53, v1;
	[tilespmem:$0x46B0] =	vst v52  }
0x89: {  	v58 =	vadd.f32 v55, v1;
	[tilespmem:$0x4730] =	vst v54  }
0x8a: {  	v60 =	vadd.f32 v57, v1;
	[tilespmem:$0x47B0] =	vst v56  }
0x8b: {  	v62 =	vadd.f32 v59, v1;
	[tilespmem:$0x4830] =	vst v58  }
0x8c: {  	v63 =	vadd.f32 v61, v1;
	[tilespmem:$0x48B0] =	vst v60  }
0x8d: {  	[tilespmem:$0x4930] =	vst v62  }
0x8e: {  	s31 =	simm.s32 $0x4080;
	[tilespmem:$0x49B0] =	vst v63  }
0x8f: {  	[hbm4b:s1+s2] =	stream.linear.scatter [tilespmem:s31], [sflag:$0x2], $0xA00, $0x38;
	[tilespmem:$0x4C80] =	vst v63  }
0x90: {  	_ =	swait.ge [sflag:s23], $0xA00  }
0x91: {  	[sflag:s23] =	ssyncset.done $0x0  }
0x92: {  	[sflag:s23] =	ssyncadd.s32 $0xFFFFF600  }
.LBB2_2:
0x93: {  	_ =	sfence.sel $0x180000  }
0x94: {  	[bflag:$0x0] =	sbarrier.arrive $0xFFFF  }
0x95: {  	_ =	strace $0x90000047  }
0x96: {  	s0 =	sadd.s32 @!p0 $0x100000, s0;
	[bflag:$0x2] =	sbarrier.arrive $0xFFFF  }
0x97: {  	[sflag:s0] =	ssyncadd.tile.s32 @!p0 $0x1;
	_ =	shalt  }
.Lfunc_end2:
_tile_overlayer_lowered:
.L_overlay_start_2:
0x98: {  	(tag) =	ssettag $0x2  }
0x99: {  	s0 =	rddreg [dreg:$0x0];
	s2 =	stileid.u32  }
0x9a: {  	s1 =	rddreg [dreg:$0x1];
	p0 =	sne.s32 s2, $0x0  }
0x9b: {  	s3 =	rddreg [dreg:$0x2];
	[bflag:$0x3] =	sbarrier.arrive $0xFFFF;
	s2 =	simm.s32 @!p0 $0x1C02  }
0x9c: {  	[timem:s3], [sflag:s2] =	dma.local @!p0 [hbm:s0], s1  }
0x9d: {  	s0 =	simm.s32 @!p0 $0x2  }
0x9e: {  	_ =	swait.ge @!p0 [sflag:s0], s1  }
0x9f: {  	s1 =	ssub.s32 @!p0 $0x0, s1;
	[sflag:s0] =	ssyncset.done @!p0 $0x0  }
0xa0: {  	[sflag:s0] =	ssyncadd.s32 @!p0 s1  }
0xa1: {  	[bflag:$0x3] =	sbarrier.arrive $0xFFFF  }
0xa2: {  	_ =	shalt  }

</sc_bundles>
